<compile_context>
chip_gen: v7x
topology: tpu7x:2x2x1
jax: 0.10.2.dev20260603
libtpu: 0.0.44.dev20260713+nightly
codegen_flags: <defaults>
</compile_context>

<pallas_src>
import jax
import jax.numpy as jnp
from jax import lax
from jax.experimental import pallas as pl
from jax.experimental.pallas import tpu as pltpu
from jax.experimental.pallas import tpu_sc as plsc

NC = 2
NS = 16
NW = NC * NS
L = 16
NBUF = 4

B = 16384
D = 128
JG = D // L
ROWS_PER_W = B // NW
CHUNK = 64
NCHUNK = ROWS_PER_W // CHUNK


def _center_loss_body(feat_hbm, idx_hbm, centers_hbm, out_hbm,
                      idx_v, rows_v, feats_v, acc_v,
                      sg0, sg1, sg2, sg3, sf0, sf1, sf2, sf3, si):
    wid = lax.axis_index("s") * NC + lax.axis_index("c")
    base = wid * ROWS_PER_W

    sg = [sg0, sg1, sg2, sg3]
    sf = [sf0, sf1, sf2, sf3]
    gd = [None] * NBUF
    fd = [None] * NBUF

    idone = pltpu.async_copy(idx_hbm.at[pl.ds(base, ROWS_PER_W)], idx_v, si)
    for b in range(NBUF - 1):
        fd[b] = pltpu.async_copy(feat_hbm.at[pl.ds(base + b * CHUNK, CHUNK)],
                                 feats_v.at[b], sf[b])
    idone.wait()
    for b in range(NBUF - 1):
        gd[b] = pltpu.async_copy(
            centers_hbm.at[idx_v.at[pl.ds(b * CHUNK, CHUNK)]], rows_v.at[b],
            sg[b])

    accs = tuple(jnp.zeros((L,), jnp.float32) for _ in range(4))

    for ci in range(NCHUNK):
        b = ci % NBUF
        gd[b].wait()
        fd[b].wait()

        nxt = ci + NBUF - 1
        if nxt < NCHUNK:
            nb = nxt % NBUF
            gd[nb] = pltpu.async_copy(
                centers_hbm.at[idx_v.at[pl.ds(nxt * CHUNK, CHUNK)]],
                rows_v.at[nb], sg[nb])
            fd[nb] = pltpu.async_copy(
                feat_hbm.at[pl.ds(base + nxt * CHUNK, CHUNK)],
                feats_v.at[nb], sf[nb])

        def row_body(i, accs, b=b):
            out = list(accs)
            for j in range(JG):
                f = feats_v[b, i, pl.ds(j * L, L)]
                c = rows_v[b, i, pl.ds(j * L, L)]
                d = f - c
                out[j % 4] = out[j % 4] + d * d
            return tuple(out)

        accs = lax.fori_loop(0, CHUNK, row_body, accs)

    acc = accs[0]
    for j in range(1, 4):
        acc = acc + accs[j]
    acc_v[...] = acc
    pltpu.sync_copy(acc_v, out_hbm.at[wid])


@jax.jit
def kernel(features, labels, centers):
    idx = labels.astype(jnp.int32)
    call = pl.kernel(
        _center_loss_body,
        out_type=jax.ShapeDtypeStruct((NW, L), jnp.float32),
        mesh=plsc.VectorSubcoreMesh(core_axis_name="c", subcore_axis_name="s"),
        scratch_types=[
            pltpu.VMEM((ROWS_PER_W,), jnp.int32),
            pltpu.VMEM((NBUF, CHUNK, D), jnp.float32),
            pltpu.VMEM((NBUF, CHUNK, D), jnp.float32),
            pltpu.VMEM((L,), jnp.float32),
            pltpu.SemaphoreType.DMA,
            pltpu.SemaphoreType.DMA,
            pltpu.SemaphoreType.DMA,
            pltpu.SemaphoreType.DMA,
            pltpu.SemaphoreType.DMA,
            pltpu.SemaphoreType.DMA,
            pltpu.SemaphoreType.DMA,
            pltpu.SemaphoreType.DMA,
            pltpu.SemaphoreType.DMA,
        ],
    )
    partials = call(features, idx, centers)
    return jnp.sum(partials) / B

# --- scband reference (transcript-rebuilt; emitter-appended) ---
"""Pipeline reference for scband-center-loss-6158983102976 (READ-ONLY COPY).

The authoritative reference and input builder live on the scoring server;
editing this copy changes nothing except your own understanding.
"""

import jax, jax.numpy as jnp
import numpy as np

NUM_CLASSES = 100000
FEAT_DIM = 128
BATCH = 16384

def setup_inputs(seed: int = 0) -> dict:
    key = jax.random.key(seed)
    k1, k2, k3 = jax.random.split(key, 3)
    features = jax.random.normal(k1, (BATCH, FEAT_DIM), dtype=jnp.float32)
    labels = jax.random.randint(k2, (BATCH,), 0, NUM_CLASSES, dtype=jnp.int64)
    centers = jax.random.normal(k3, (NUM_CLASSES, FEAT_DIM), dtype=jnp.float32)
    return {"features": features, "labels": labels, "centers": centers}

def reference(features, labels, centers):
    batch_size = features.shape[0]
    centers_batch = jnp.take(centers, labels, axis=0)
    loss = jnp.sum((features - centers_batch) ** 2) / batch_size
    return loss

if __name__ == "__main__":
    import jax
    _d = setup_inputs()
    print(jax.jit(kernel)(*tuple(_d.values())))

</pallas_src>

<mosaic_0001>
#map = affine_map<(d0, d1) -> (0, 0)>
#map1 = affine_map<(d0, d1) -> (0)>
module attributes {stable_mosaic.version = 14 : i64} {
  func.func @_center_loss_body(%arg0: i32, %arg1: i32, %arg2: memref<16384x128xf32, #tpu.memory_space<hbm>>, %arg3: memref<16384xi32, #tpu.memory_space<hbm>>, %arg4: memref<100000x128xf32, #tpu.memory_space<hbm>>, %arg5: memref<32x16xf32, #tpu.memory_space<hbm>>, %arg6: memref<512xi32, #tpu.memory_space<vmem>>, %arg7: memref<4x64x128xf32, #tpu.memory_space<vmem>>, %arg8: memref<4x64x128xf32, #tpu.memory_space<vmem>>, %arg9: memref<16xf32, #tpu.memory_space<vmem>>, %arg10: memref<!tpu.dma_semaphore, #tpu.memory_space<semaphore_mem>>, %arg11: memref<!tpu.dma_semaphore, #tpu.memory_space<semaphore_mem>>, %arg12: memref<!tpu.dma_semaphore, #tpu.memory_space<semaphore_mem>>, %arg13: memref<!tpu.dma_semaphore, #tpu.memory_space<semaphore_mem>>, %arg14: memref<!tpu.dma_semaphore, #tpu.memory_space<semaphore_mem>>, %arg15: memref<!tpu.dma_semaphore, #tpu.memory_space<semaphore_mem>>, %arg16: memref<!tpu.dma_semaphore, #tpu.memory_space<semaphore_mem>>, %arg17: memref<!tpu.dma_semaphore, #tpu.memory_space<semaphore_mem>>, %arg18: memref<!tpu.dma_semaphore, #tpu.memory_space<semaphore_mem>>) attributes {dimension_semantics = [#tpu.dimension_semantics<core_parallel>, #tpu.dimension_semantics<subcore_parallel>], iteration_bounds = array<i64: 2, 16>, scalar_prefetch = 0 : i64, scratch_operands = 13 : i64, tpu.core_type = #tpu.core_type<sc_vector_subcore>, window_params = [{transform_indices = #map}, {transform_indices = #map1}, {transform_indices = #map}, {transform_indices = #map}]} {
    %mul3A = arith.constant 2 : i32
    %mul3A_0 = arith.muli %arg1, %mul3A : i32
    %add3A = arith.addi %mul3A_0, %arg0 : i32
    %mul3A_1 = arith.constant 512 : i32
    %mul3A_2 = arith.muli %add3A, %mul3A_1 : i32
    %dma_start3A = tpu.memref_slice %arg3[%mul3A_2] : memref<16384xi32, #tpu.memory_space<hbm>> -> memref<512xi32, #tpu.memory_space<hbm>>
    %dma_start3A_3 = tpu.memref_slice %arg3[%mul3A_2] : memref<16384xi32, #tpu.memory_space<hbm>> -> memref<512xi32, #tpu.memory_space<hbm>>
    tpu.enqueue_dma source(%dma_start3A_3 : memref<512xi32, #tpu.memory_space<hbm>>) target(%arg6 : memref<512xi32, #tpu.memory_space<vmem>>) target_semaphore(%arg18 : memref<!tpu.dma_semaphore, #tpu.memory_space<semaphore_mem>>)
    %add3A_4 = arith.constant 0 : i32
    %add3A_5 = arith.addi %mul3A_2, %add3A_4 : i32
    %dma_start3A_6 = arith.constant 0 : i32
    %dma_start3A_7 = arith.constant 0 : i32
    %dma_start3A_8 = arith.constant 0 : i32
    %dma_start3A_9 = tpu.memref_slice %arg8[%dma_start3A_6, %dma_start3A_7, %dma_start3A_8] : memref<4x64x128xf32, #tpu.memory_space<vmem>> -> memref<1x64x128xf32, #tpu.memory_space<vmem>>
    %dma_start3A_10 = tpu.memref_squeeze %dma_start3A_9 : memref<1x64x128xf32, #tpu.memory_space<vmem>> -> memref<64x128xf32, #tpu.memory_space<vmem>>
    %dma_start3A_11 = arith.constant 0 : i32
    %dma_start3A_12 = tpu.memref_slice %arg2[%add3A_5, %dma_start3A_11] : memref<16384x128xf32, #tpu.memory_space<hbm>> -> memref<64x128xf32, #tpu.memory_space<hbm>>
    %dma_start3A_13 = arith.constant 0 : i32
    %dma_start3A_14 = arith.constant 0 : i32
    %dma_start3A_15 = tpu.memref_slice %arg8[%dma_start3A_6, %dma_start3A_13, %dma_start3A_14] : memref<4x64x128xf32, #tpu.memory_space<vmem>> -> memref<1x64x128xf32, #tpu.memory_space<vmem>>
    %dma_start3A_16 = tpu.memref_squeeze %dma_start3A_15 : memref<1x64x128xf32, #tpu.memory_space<vmem>> -> memref<64x128xf32, #tpu.memory_space<vmem>>
    %dma_start3A_17 = arith.constant 0 : i32
    %dma_start3A_18 = tpu.memref_slice %arg2[%add3A_5, %dma_start3A_17] : memref<16384x128xf32, #tpu.memory_space<hbm>> -> memref<64x128xf32, #tpu.memory_space<hbm>>
    tpu.enqueue_dma source(%dma_start3A_18 : memref<64x128xf32, #tpu.memory_space<hbm>>) target(%dma_start3A_16 : memref<64x128xf32, #tpu.memory_space<vmem>>) target_semaphore(%arg14 : memref<!tpu.dma_semaphore, #tpu.memory_space<semaphore_mem>>)
    %add3A_19 = arith.constant 64 : i32
    %add3A_20 = arith.addi %mul3A_2, %add3A_19 : i32
    %dma_start3A_21 = arith.constant 1 : i32
    %dma_start3A_22 = arith.constant 0 : i32
    %dma_start3A_23 = arith.constant 0 : i32
    %dma_start3A_24 = tpu.memref_slice %arg8[%dma_start3A_21, %dma_start3A_22, %dma_start3A_23] : memref<4x64x128xf32, #tpu.memory_space<vmem>> -> memref<1x64x128xf32, #tpu.memory_space<vmem>>
    %dma_start3A_25 = tpu.memref_squeeze %dma_start3A_24 : memref<1x64x128xf32, #tpu.memory_space<vmem>> -> memref<64x128xf32, #tpu.memory_space<vmem>>
    %dma_start3A_26 = arith.constant 0 : i32
    %dma_start3A_27 = tpu.memref_slice %arg2[%add3A_20, %dma_start3A_26] : memref<16384x128xf32, #tpu.memory_space<hbm>> -> memref<64x128xf32, #tpu.memory_space<hbm>>
    %dma_start3A_28 = arith.constant 0 : i32
    %dma_start3A_29 = arith.constant 0 : i32
    %dma_start3A_30 = tpu.memref_slice %arg8[%dma_start3A_21, %dma_start3A_28, %dma_start3A_29] : memref<4x64x128xf32, #tpu.memory_space<vmem>> -> memref<1x64x128xf32, #tpu.memory_space<vmem>>
    %dma_start3A_31 = tpu.memref_squeeze %dma_start3A_30 : memref<1x64x128xf32, #tpu.memory_space<vmem>> -> memref<64x128xf32, #tpu.memory_space<vmem>>
    %dma_start3A_32 = arith.constant 0 : i32
    %dma_start3A_33 = tpu.memref_slice %arg2[%add3A_20, %dma_start3A_32] : memref<16384x128xf32, #tpu.memory_space<hbm>> -> memref<64x128xf32, #tpu.memory_space<hbm>>
    tpu.enqueue_dma source(%dma_start3A_33 : memref<64x128xf32, #tpu.memory_space<hbm>>) target(%dma_start3A_31 : memref<64x128xf32, #tpu.memory_space<vmem>>) target_semaphore(%arg15 : memref<!tpu.dma_semaphore, #tpu.memory_space<semaphore_mem>>)
    %add3A_34 = arith.constant 128 : i32
    %add3A_35 = arith.addi %mul3A_2, %add3A_34 : i32
    %dma_start3A_36 = arith.constant 2 : i32
    %dma_start3A_37 = arith.constant 0 : i32
    %dma_start3A_38 = arith.constant 0 : i32
    %dma_start3A_39 = tpu.memref_slice %arg8[%dma_start3A_36, %dma_start3A_37, %dma_start3A_38] : memref<4x64x128xf32, #tpu.memory_space<vmem>> -> memref<1x64x128xf32, #tpu.memory_space<vmem>>
    %dma_start3A_40 = tpu.memref_squeeze %dma_start3A_39 : memref<1x64x128xf32, #tpu.memory_space<vmem>> -> memref<64x128xf32, #tpu.memory_space<vmem>>
    %dma_start3A_41 = arith.constant 0 : i32
    %dma_start3A_42 = tpu.memref_slice %arg2[%add3A_35, %dma_start3A_41] : memref<16384x128xf32, #tpu.memory_space<hbm>> -> memref<64x128xf32, #tpu.memory_space<hbm>>
    %dma_start3A_43 = arith.constant 0 : i32
    %dma_start3A_44 = arith.constant 0 : i32
    %dma_start3A_45 = tpu.memref_slice %arg8[%dma_start3A_36, %dma_start3A_43, %dma_start3A_44] : memref<4x64x128xf32, #tpu.memory_space<vmem>> -> memref<1x64x128xf32, #tpu.memory_space<vmem>>
    %dma_start3A_46 = tpu.memref_squeeze %dma_start3A_45 : memref<1x64x128xf32, #tpu.memory_space<vmem>> -> memref<64x128xf32, #tpu.memory_space<vmem>>
    %dma_start3A_47 = arith.constant 0 : i32
    %dma_start3A_48 = tpu.memref_slice %arg2[%add3A_35, %dma_start3A_47] : memref<16384x128xf32, #tpu.memory_space<hbm>> -> memref<64x128xf32, #tpu.memory_space<hbm>>
    tpu.enqueue_dma source(%dma_start3A_48 : memref<64x128xf32, #tpu.memory_space<hbm>>) target(%dma_start3A_46 : memref<64x128xf32, #tpu.memory_space<vmem>>) target_semaphore(%arg16 : memref<!tpu.dma_semaphore, #tpu.memory_space<semaphore_mem>>)
    %dma_wait3A = tpu.memref_slice %arg3[%mul3A_2] : memref<16384xi32, #tpu.memory_space<hbm>> -> memref<512xi32, #tpu.memory_space<hbm>>
    %dma_wait3A_49 = tpu.memref_slice %arg3[%mul3A_2] : memref<16384xi32, #tpu.memory_space<hbm>> -> memref<512xi32, #tpu.memory_space<hbm>>
    tpu.wait_dma2 semaphore(%arg18 : memref<!tpu.dma_semaphore, #tpu.memory_space<semaphore_mem>>) src(%dma_wait3A_49 : memref<512xi32, #tpu.memory_space<hbm>>) dst(%arg6 : memref<512xi32, #tpu.memory_space<vmem>>)
    %dma_start3A_50 = arith.constant 0 : i32
    %dma_start3A_51 = arith.constant 0 : i32
    %dma_start3A_52 = arith.constant 0 : i32
    %dma_start3A_53 = tpu.memref_slice %arg7[%dma_start3A_50, %dma_start3A_51, %dma_start3A_52] : memref<4x64x128xf32, #tpu.memory_space<vmem>> -> memref<1x64x128xf32, #tpu.memory_space<vmem>>
    %dma_start3A_54 = tpu.memref_squeeze %dma_start3A_53 : memref<1x64x128xf32, #tpu.memory_space<vmem>> -> memref<64x128xf32, #tpu.memory_space<vmem>>
    %dma_start3A_55 = arith.constant 0 : i32
    %dma_start3A_56 = tpu.memref_slice %arg6[%dma_start3A_55] : memref<512xi32, #tpu.memory_space<vmem>> -> memref<64xi32, #tpu.memory_space<vmem>>
    %dma_start3A_57 = arith.constant 0 : i32
    %dma_start3A_58 = arith.constant 0 : i32
    %dma_start3A_59 = tpu.memref_slice %arg4[%dma_start3A_57, %dma_start3A_58] : memref<100000x128xf32, #tpu.memory_space<hbm>> -> memref<100000x128xf32, #tpu.memory_space<hbm>>
    tpu.enqueue_indirect_dma source(%dma_start3A_59 : memref<100000x128xf32, #tpu.memory_space<hbm>>) target(%dma_start3A_54 : memref<64x128xf32, #tpu.memory_space<vmem>>) offsets(%dma_start3A_56 : memref<64xi32, #tpu.memory_space<vmem>>) semaphore(%arg10 : memref<!tpu.dma_semaphore, #tpu.memory_space<semaphore_mem>>)
    %dma_start3A_60 = arith.constant 1 : i32
    %dma_start3A_61 = arith.constant 0 : i32
    %dma_start3A_62 = arith.constant 0 : i32
    %dma_start3A_63 = tpu.memref_slice %arg7[%dma_start3A_60, %dma_start3A_61, %dma_start3A_62] : memref<4x64x128xf32, #tpu.memory_space<vmem>> -> memref<1x64x128xf32, #tpu.memory_space<vmem>>
    %dma_start3A_64 = tpu.memref_squeeze %dma_start3A_63 : memref<1x64x128xf32, #tpu.memory_space<vmem>> -> memref<64x128xf32, #tpu.memory_space<vmem>>
    %dma_start3A_65 = arith.constant 64 : i32
    %dma_start3A_66 = tpu.memref_slice %arg6[%dma_start3A_65] : memref<512xi32, #tpu.memory_space<vmem>> -> memref<64xi32, #tpu.memory_space<vmem>>
    %dma_start3A_67 = arith.constant 0 : i32
    %dma_start3A_68 = arith.constant 0 : i32
    %dma_start3A_69 = tpu.memref_slice %arg4[%dma_start3A_67, %dma_start3A_68] : memref<100000x128xf32, #tpu.memory_space<hbm>> -> memref<100000x128xf32, #tpu.memory_space<hbm>>
    tpu.enqueue_indirect_dma source(%dma_start3A_69 : memref<100000x128xf32, #tpu.memory_space<hbm>>) target(%dma_start3A_64 : memref<64x128xf32, #tpu.memory_space<vmem>>) offsets(%dma_start3A_66 : memref<64xi32, #tpu.memory_space<vmem>>) semaphore(%arg11 : memref<!tpu.dma_semaphore, #tpu.memory_space<semaphore_mem>>)
    %dma_start3A_70 = arith.constant 2 : i32
    %dma_start3A_71 = arith.constant 0 : i32
    %dma_start3A_72 = arith.constant 0 : i32
    %dma_start3A_73 = tpu.memref_slice %arg7[%dma_start3A_70, %dma_start3A_71, %dma_start3A_72] : memref<4x64x128xf32, #tpu.memory_space<vmem>> -> memref<1x64x128xf32, #tpu.memory_space<vmem>>
    %dma_start3A_74 = tpu.memref_squeeze %dma_start3A_73 : memref<1x64x128xf32, #tpu.memory_space<vmem>> -> memref<64x128xf32, #tpu.memory_space<vmem>>
    %dma_start3A_75 = arith.constant 128 : i32
    %dma_start3A_76 = tpu.memref_slice %arg6[%dma_start3A_75] : memref<512xi32, #tpu.memory_space<vmem>> -> memref<64xi32, #tpu.memory_space<vmem>>
    %dma_start3A_77 = arith.constant 0 : i32
    %dma_start3A_78 = arith.constant 0 : i32
    %dma_start3A_79 = tpu.memref_slice %arg4[%dma_start3A_77, %dma_start3A_78] : memref<100000x128xf32, #tpu.memory_space<hbm>> -> memref<100000x128xf32, #tpu.memory_space<hbm>>
    tpu.enqueue_indirect_dma source(%dma_start3A_79 : memref<100000x128xf32, #tpu.memory_space<hbm>>) target(%dma_start3A_74 : memref<64x128xf32, #tpu.memory_space<vmem>>) offsets(%dma_start3A_76 : memref<64xi32, #tpu.memory_space<vmem>>) semaphore(%arg12 : memref<!tpu.dma_semaphore, #tpu.memory_space<semaphore_mem>>)
    %broadcast_in_dim3A = arith.constant 0.000000e+00 : f32
    %broadcast_in_dim3A_80 = vector.broadcast %broadcast_in_dim3A : f32 to vector<16xf32>
    %broadcast_in_dim3A_81 = arith.constant 0.000000e+00 : f32
    %broadcast_in_dim3A_82 = vector.broadcast %broadcast_in_dim3A_81 : f32 to vector<16xf32>
    %broadcast_in_dim3A_83 = arith.constant 0.000000e+00 : f32
    %broadcast_in_dim3A_84 = vector.broadcast %broadcast_in_dim3A_83 : f32 to vector<16xf32>
    %broadcast_in_dim3A_85 = arith.constant 0.000000e+00 : f32
    %broadcast_in_dim3A_86 = vector.broadcast %broadcast_in_dim3A_85 : f32 to vector<16xf32>
    %dma_wait3A_87 = arith.constant 0 : i32
    %dma_wait3A_88 = arith.constant 0 : i32
    %dma_wait3A_89 = arith.constant 0 : i32
    %dma_wait3A_90 = tpu.memref_slice %arg7[%dma_wait3A_87, %dma_wait3A_88, %dma_wait3A_89] : memref<4x64x128xf32, #tpu.memory_space<vmem>> -> memref<1x64x128xf32, #tpu.memory_space<vmem>>
    %dma_wait3A_91 = tpu.memref_squeeze %dma_wait3A_90 : memref<1x64x128xf32, #tpu.memory_space<vmem>> -> memref<64x128xf32, #tpu.memory_space<vmem>>
    %dma_wait3A_92 = arith.constant 0 : i32
    %dma_wait3A_93 = tpu.memref_slice %arg6[%dma_wait3A_92] : memref<512xi32, #tpu.memory_space<vmem>> -> memref<64xi32, #tpu.memory_space<vmem>>
    %dma_wait3A_94 = arith.constant 0 : i32
    %dma_wait3A_95 = arith.constant 0 : i32
    %dma_wait3A_96 = tpu.memref_slice %arg4[%dma_wait3A_94, %dma_wait3A_95] : memref<100000x128xf32, #tpu.memory_space<hbm>> -> memref<100000x128xf32, #tpu.memory_space<hbm>>
    tpu.wait_indirect_dma semaphore(%arg10 : memref<!tpu.dma_semaphore, #tpu.memory_space<semaphore_mem>>) src(%dma_wait3A_96 : memref<100000x128xf32, #tpu.memory_space<hbm>>) dst(%dma_wait3A_91 : memref<64x128xf32, #tpu.memory_space<vmem>>)
    %dma_wait3A_97 = arith.constant 0 : i32
    %dma_wait3A_98 = arith.constant 0 : i32
    %dma_wait3A_99 = arith.constant 0 : i32
    %dma_wait3A_100 = tpu.memref_slice %arg8[%dma_wait3A_97, %dma_wait3A_98, %dma_wait3A_99] : memref<4x64x128xf32, #tpu.memory_space<vmem>> -> memref<1x64x128xf32, #tpu.memory_space<vmem>>
    %dma_wait3A_101 = tpu.memref_squeeze %dma_wait3A_100 : memref<1x64x128xf32, #tpu.memory_space<vmem>> -> memref<64x128xf32, #tpu.memory_space<vmem>>
    %dma_wait3A_102 = arith.constant 0 : i32
    %dma_wait3A_103 = tpu.memref_slice %arg2[%add3A_5, %dma_wait3A_102] : memref<16384x128xf32, #tpu.memory_space<hbm>> -> memref<64x128xf32, #tpu.memory_space<hbm>>
    %dma_wait3A_104 = arith.constant 0 : i32
    %dma_wait3A_105 = arith.constant 0 : i32
    %dma_wait3A_106 = tpu.memref_slice %arg8[%dma_wait3A_97, %dma_wait3A_104, %dma_wait3A_105] : memref<4x64x128xf32, #tpu.memory_space<vmem>> -> memref<1x64x128xf32, #tpu.memory_space<vmem>>
    %dma_wait3A_107 = tpu.memref_squeeze %dma_wait3A_106 : memref<1x64x128xf32, #tpu.memory_space<vmem>> -> memref<64x128xf32, #tpu.memory_space<vmem>>
    %dma_wait3A_108 = arith.constant 0 : i32
    %dma_wait3A_109 = tpu.memref_slice %arg2[%add3A_5, %dma_wait3A_108] : memref<16384x128xf32, #tpu.memory_space<hbm>> -> memref<64x128xf32, #tpu.memory_space<hbm>>
    tpu.wait_dma2 semaphore(%arg14 : memref<!tpu.dma_semaphore, #tpu.memory_space<semaphore_mem>>) src(%dma_wait3A_109 : memref<64x128xf32, #tpu.memory_space<hbm>>) dst(%dma_wait3A_107 : memref<64x128xf32, #tpu.memory_space<vmem>>)
    %dma_start3A_110 = arith.constant 3 : i32
    %dma_start3A_111 = arith.constant 0 : i32
    %dma_start3A_112 = arith.constant 0 : i32
    %dma_start3A_113 = tpu.memref_slice %arg7[%dma_start3A_110, %dma_start3A_111, %dma_start3A_112] : memref<4x64x128xf32, #tpu.memory_space<vmem>> -> memref<1x64x128xf32, #tpu.memory_space<vmem>>
    %dma_start3A_114 = tpu.memref_squeeze %dma_start3A_113 : memref<1x64x128xf32, #tpu.memory_space<vmem>> -> memref<64x128xf32, #tpu.memory_space<vmem>>
    %dma_start3A_115 = arith.constant 192 : i32
    %dma_start3A_116 = tpu.memref_slice %arg6[%dma_start3A_115] : memref<512xi32, #tpu.memory_space<vmem>> -> memref<64xi32, #tpu.memory_space<vmem>>
    %dma_start3A_117 = arith.constant 0 : i32
    %dma_start3A_118 = arith.constant 0 : i32
    %dma_start3A_119 = tpu.memref_slice %arg4[%dma_start3A_117, %dma_start3A_118] : memref<100000x128xf32, #tpu.memory_space<hbm>> -> memref<100000x128xf32, #tpu.memory_space<hbm>>
    tpu.enqueue_indirect_dma source(%dma_start3A_119 : memref<100000x128xf32, #tpu.memory_space<hbm>>) target(%dma_start3A_114 : memref<64x128xf32, #tpu.memory_space<vmem>>) offsets(%dma_start3A_116 : memref<64xi32, #tpu.memory_space<vmem>>) semaphore(%arg13 : memref<!tpu.dma_semaphore, #tpu.memory_space<semaphore_mem>>)
    %add3A_120 = arith.constant 192 : i32
    %add3A_121 = arith.addi %mul3A_2, %add3A_120 : i32
    %dma_start3A_122 = arith.constant 3 : i32
    %dma_start3A_123 = arith.constant 0 : i32
    %dma_start3A_124 = arith.constant 0 : i32
    %dma_start3A_125 = tpu.memref_slice %arg8[%dma_start3A_122, %dma_start3A_123, %dma_start3A_124] : memref<4x64x128xf32, #tpu.memory_space<vmem>> -> memref<1x64x128xf32, #tpu.memory_space<vmem>>
    %dma_start3A_126 = tpu.memref_squeeze %dma_start3A_125 : memref<1x64x128xf32, #tpu.memory_space<vmem>> -> memref<64x128xf32, #tpu.memory_space<vmem>>
    %dma_start3A_127 = arith.constant 0 : i32
    %dma_start3A_128 = tpu.memref_slice %arg2[%add3A_121, %dma_start3A_127] : memref<16384x128xf32, #tpu.memory_space<hbm>> -> memref<64x128xf32, #tpu.memory_space<hbm>>
    %dma_start3A_129 = arith.constant 0 : i32
    %dma_start3A_130 = arith.constant 0 : i32
    %dma_start3A_131 = tpu.memref_slice %arg8[%dma_start3A_122, %dma_start3A_129, %dma_start3A_130] : memref<4x64x128xf32, #tpu.memory_space<vmem>> -> memref<1x64x128xf32, #tpu.memory_space<vmem>>
    %dma_start3A_132 = tpu.memref_squeeze %dma_start3A_131 : memref<1x64x128xf32, #tpu.memory_space<vmem>> -> memref<64x128xf32, #tpu.memory_space<vmem>>
    %dma_start3A_133 = arith.constant 0 : i32
    %dma_start3A_134 = tpu.memref_slice %arg2[%add3A_121, %dma_start3A_133] : memref<16384x128xf32, #tpu.memory_space<hbm>> -> memref<64x128xf32, #tpu.memory_space<hbm>>
    tpu.enqueue_dma source(%dma_start3A_134 : memref<64x128xf32, #tpu.memory_space<hbm>>) target(%dma_start3A_132 : memref<64x128xf32, #tpu.memory_space<vmem>>) target_semaphore(%arg17 : memref<!tpu.dma_semaphore, #tpu.memory_space<semaphore_mem>>)
    %scan3A = arith.constant 0 : i32
    %scan3A_135 = arith.constant 64 : i32
    %scan3A_136 = arith.addi %scan3A, %scan3A_135 : i32
    %scan3A_137 = arith.constant 1 : i32
    %scan3A_138:4 = scf.for %scan3A_449 = %scan3A to %scan3A_136 step %scan3A_137 iter_args(%scan3A_450 = %broadcast_in_dim3A_80, %scan3A_451 = %broadcast_in_dim3A_82, %scan3A_452 = %broadcast_in_dim3A_84, %scan3A_453 = %broadcast_in_dim3A_86) -> (vector<16xf32>, vector<16xf32>, vector<16xf32>, vector<16xf32>)  : i32 {
      %get3A = arith.constant 0 : i32
      %get3A_454 = arith.index_cast %get3A : i32 to index
      %get3A_455 = arith.index_cast %scan3A_449 : i32 to index
      %get3A_456 = arith.constant 0 : index
      %get3A_457 = tpu.vector_load %arg8[%get3A_454, %get3A_455, %get3A_456] {strides = array<i32>} : memref<4x64x128xf32, #tpu.memory_space<vmem>>, vector<1x1x16xf32>,
      %get3A_458 = vector.shape_cast %get3A_457 : vector<1x1x16xf32> to vector<16xf32>
      %get3A_459 = arith.constant 0 : i32
      %get3A_460 = arith.index_cast %get3A_459 : i32 to index
      %get3A_461 = arith.index_cast %scan3A_449 : i32 to index
      %get3A_462 = arith.constant 0 : index
      %get3A_463 = tpu.vector_load %arg7[%get3A_460, %get3A_461, %get3A_462] {strides = array<i32>} : memref<4x64x128xf32, #tpu.memory_space<vmem>>, vector<1x1x16xf32>,
      %get3A_464 = vector.shape_cast %get3A_463 : vector<1x1x16xf32> to vector<16xf32>
      %sub3A = arith.subf %get3A_458, %get3A_464 : vector<16xf32>
      %mul3A_465 = arith.mulf %sub3A, %sub3A : vector<16xf32>
      %add3A_466 = arith.addf %scan3A_450, %mul3A_465 : vector<16xf32>
      %get3A_467 = arith.constant 0 : i32
      %get3A_468 = arith.index_cast %get3A_467 : i32 to index
      %get3A_469 = arith.index_cast %scan3A_449 : i32 to index
      %get3A_470 = arith.constant 16 : index
      %get3A_471 = tpu.vector_load %arg8[%get3A_468, %get3A_469, %get3A_470] {strides = array<i32>} : memref<4x64x128xf32, #tpu.memory_space<vmem>>, vector<1x1x16xf32>,
      %get3A_472 = vector.shape_cast %get3A_471 : vector<1x1x16xf32> to vector<16xf32>
      %get3A_473 = arith.constant 0 : i32
      %get3A_474 = arith.index_cast %get3A_473 : i32 to index
      %get3A_475 = arith.index_cast %scan3A_449 : i32 to index
      %get3A_476 = arith.constant 16 : index
      %get3A_477 = tpu.vector_load %arg7[%get3A_474, %get3A_475, %get3A_476] {strides = array<i32>} : memref<4x64x128xf32, #tpu.memory_space<vmem>>, vector<1x1x16xf32>,
      %get3A_478 = vector.shape_cast %get3A_477 : vector<1x1x16xf32> to vector<16xf32>
      %sub3A_479 = arith.subf %get3A_472, %get3A_478 : vector<16xf32>
      %mul3A_480 = arith.mulf %sub3A_479, %sub3A_479 : vector<16xf32>
      %add3A_481 = arith.addf %scan3A_451, %mul3A_480 : vector<16xf32>
      %get3A_482 = arith.constant 0 : i32
      %get3A_483 = arith.index_cast %get3A_482 : i32 to index
      %get3A_484 = arith.index_cast %scan3A_449 : i32 to index
      %get3A_485 = arith.constant 32 : index
      %get3A_486 = tpu.vector_load %arg8[%get3A_483, %get3A_484, %get3A_485] {strides = array<i32>} : memref<4x64x128xf32, #tpu.memory_space<vmem>>, vector<1x1x16xf32>,
      %get3A_487 = vector.shape_cast %get3A_486 : vector<1x1x16xf32> to vector<16xf32>
      %get3A_488 = arith.constant 0 : i32
      %get3A_489 = arith.index_cast %get3A_488 : i32 to index
      %get3A_490 = arith.index_cast %scan3A_449 : i32 to index
      %get3A_491 = arith.constant 32 : index
      %get3A_492 = tpu.vector_load %arg7[%get3A_489, %get3A_490, %get3A_491] {strides = array<i32>} : memref<4x64x128xf32, #tpu.memory_space<vmem>>, vector<1x1x16xf32>,
      %get3A_493 = vector.shape_cast %get3A_492 : vector<1x1x16xf32> to vector<16xf32>
      %sub3A_494 = arith.subf %get3A_487, %get3A_493 : vector<16xf32>
      %mul3A_495 = arith.mulf %sub3A_494, %sub3A_494 : vector<16xf32>
      %add3A_496 = arith.addf %scan3A_452, %mul3A_495 : vector<16xf32>
      %get3A_497 = arith.constant 0 : i32
      %get3A_498 = arith.index_cast %get3A_497 : i32 to index
      %get3A_499 = arith.index_cast %scan3A_449 : i32 to index
      %get3A_500 = arith.constant 48 : index
      %get3A_501 = tpu.vector_load %arg8[%get3A_498, %get3A_499, %get3A_500] {strides = array<i32>} : memref<4x64x128xf32, #tpu.memory_space<vmem>>, vector<1x1x16xf32>,
      %get3A_502 = vector.shape_cast %get3A_501 : vector<1x1x16xf32> to vector<16xf32>
      %get3A_503 = arith.constant 0 : i32
      %get3A_504 = arith.index_cast %get3A_503 : i32 to index
      %get3A_505 = arith.index_cast %scan3A_449 : i32 to index
      %get3A_506 = arith.constant 48 : index
      %get3A_507 = tpu.vector_load %arg7[%get3A_504, %get3A_505, %get3A_506] {strides = array<i32>} : memref<4x64x128xf32, #tpu.memory_space<vmem>>, vector<1x1x16xf32>,
      %get3A_508 = vector.shape_cast %get3A_507 : vector<1x1x16xf32> to vector<16xf32>
      %sub3A_509 = arith.subf %get3A_502, %get3A_508 : vector<16xf32>
      %mul3A_510 = arith.mulf %sub3A_509, %sub3A_509 : vector<16xf32>
      %add3A_511 = arith.addf %scan3A_453, %mul3A_510 : vector<16xf32>
      %get3A_512 = arith.constant 0 : i32
      %get3A_513 = arith.index_cast %get3A_512 : i32 to index
      %get3A_514 = arith.index_cast %scan3A_449 : i32 to index
      %get3A_515 = arith.constant 64 : index
      %get3A_516 = tpu.vector_load %arg8[%get3A_513, %get3A_514, %get3A_515] {strides = array<i32>} : memref<4x64x128xf32, #tpu.memory_space<vmem>>, vector<1x1x16xf32>,
      %get3A_517 = vector.shape_cast %get3A_516 : vector<1x1x16xf32> to vector<16xf32>
      %get3A_518 = arith.constant 0 : i32
      %get3A_519 = arith.index_cast %get3A_518 : i32 to index
      %get3A_520 = arith.index_cast %scan3A_449 : i32 to index
      %get3A_521 = arith.constant 64 : index
      %get3A_522 = tpu.vector_load %arg7[%get3A_519, %get3A_520, %get3A_521] {strides = array<i32>} : memref<4x64x128xf32, #tpu.memory_space<vmem>>, vector<1x1x16xf32>,
      %get3A_523 = vector.shape_cast %get3A_522 : vector<1x1x16xf32> to vector<16xf32>
      %sub3A_524 = arith.subf %get3A_517, %get3A_523 : vector<16xf32>
      %mul3A_525 = arith.mulf %sub3A_524, %sub3A_524 : vector<16xf32>
      %add3A_526 = arith.addf %add3A_466, %mul3A_525 : vector<16xf32>
      %get3A_527 = arith.constant 0 : i32
      %get3A_528 = arith.index_cast %get3A_527 : i32 to index
      %get3A_529 = arith.index_cast %scan3A_449 : i32 to index
      %get3A_530 = arith.constant 80 : index
      %get3A_531 = tpu.vector_load %arg8[%get3A_528, %get3A_529, %get3A_530] {strides = array<i32>} : memref<4x64x128xf32, #tpu.memory_space<vmem>>, vector<1x1x16xf32>,
      %get3A_532 = vector.shape_cast %get3A_531 : vector<1x1x16xf32> to vector<16xf32>
      %get3A_533 = arith.constant 0 : i32
      %get3A_534 = arith.index_cast %get3A_533 : i32 to index
      %get3A_535 = arith.index_cast %scan3A_449 : i32 to index
      %get3A_536 = arith.constant 80 : index
      %get3A_537 = tpu.vector_load %arg7[%get3A_534, %get3A_535, %get3A_536] {strides = array<i32>} : memref<4x64x128xf32, #tpu.memory_space<vmem>>, vector<1x1x16xf32>,
      %get3A_538 = vector.shape_cast %get3A_537 : vector<1x1x16xf32> to vector<16xf32>
      %sub3A_539 = arith.subf %get3A_532, %get3A_538 : vector<16xf32>
      %mul3A_540 = arith.mulf %sub3A_539, %sub3A_539 : vector<16xf32>
      %add3A_541 = arith.addf %add3A_481, %mul3A_540 : vector<16xf32>
      %get3A_542 = arith.constant 0 : i32
      %get3A_543 = arith.index_cast %get3A_542 : i32 to index
      %get3A_544 = arith.index_cast %scan3A_449 : i32 to index
      %get3A_545 = arith.constant 96 : index
      %get3A_546 = tpu.vector_load %arg8[%get3A_543, %get3A_544, %get3A_545] {strides = array<i32>} : memref<4x64x128xf32, #tpu.memory_space<vmem>>, vector<1x1x16xf32>,
      %get3A_547 = vector.shape_cast %get3A_546 : vector<1x1x16xf32> to vector<16xf32>
      %get3A_548 = arith.constant 0 : i32
      %get3A_549 = arith.index_cast %get3A_548 : i32 to index
      %get3A_550 = arith.index_cast %scan3A_449 : i32 to index
      %get3A_551 = arith.constant 96 : index
      %get3A_552 = tpu.vector_load %arg7[%get3A_549, %get3A_550, %get3A_551] {strides = array<i32>} : memref<4x64x128xf32, #tpu.memory_space<vmem>>, vector<1x1x16xf32>,
      %get3A_553 = vector.shape_cast %get3A_552 : vector<1x1x16xf32> to vector<16xf32>
      %sub3A_554 = arith.subf %get3A_547, %get3A_553 : vector<16xf32>
      %mul3A_555 = arith.mulf %sub3A_554, %sub3A_554 : vector<16xf32>
      %add3A_556 = arith.addf %add3A_496, %mul3A_555 : vector<16xf32>
      %get3A_557 = arith.constant 0 : i32
      %get3A_558 = arith.index_cast %get3A_557 : i32 to index
      %get3A_559 = arith.index_cast %scan3A_449 : i32 to index
      %get3A_560 = arith.constant 112 : index
      %get3A_561 = tpu.vector_load %arg8[%get3A_558, %get3A_559, %get3A_560] {strides = array<i32>} : memref<4x64x128xf32, #tpu.memory_space<vmem>>, vector<1x1x16xf32>,
      %get3A_562 = vector.shape_cast %get3A_561 : vector<1x1x16xf32> to vector<16xf32>
      %get3A_563 = arith.constant 0 : i32
      %get3A_564 = arith.index_cast %get3A_563 : i32 to index
      %get3A_565 = arith.index_cast %scan3A_449 : i32 to index
      %get3A_566 = arith.constant 112 : index
      %get3A_567 = tpu.vector_load %arg7[%get3A_564, %get3A_565, %get3A_566] {strides = array<i32>} : memref<4x64x128xf32, #tpu.memory_space<vmem>>, vector<1x1x16xf32>,
      %get3A_568 = vector.shape_cast %get3A_567 : vector<1x1x16xf32> to vector<16xf32>
      %sub3A_569 = arith.subf %get3A_562, %get3A_568 : vector<16xf32>
      %mul3A_570 = arith.mulf %sub3A_569, %sub3A_569 : vector<16xf32>
      %add3A_571 = arith.addf %add3A_511, %mul3A_570 : vector<16xf32>
      scf.yield %add3A_526, %add3A_541, %add3A_556, %add3A_571 : vector<16xf32>, vector<16xf32>, vector<16xf32>, vector<16xf32>
    }
    %scan3A_139 = arith.constant 64 : i32
    %dma_wait3A_140 = arith.constant 1 : i32
    %dma_wait3A_141 = arith.constant 0 : i32
    %dma_wait3A_142 = arith.constant 0 : i32
    %dma_wait3A_143 = tpu.memref_slice %arg7[%dma_wait3A_140, %dma_wait3A_141, %dma_wait3A_142] : memref<4x64x128xf32, #tpu.memory_space<vmem>> -> memref<1x64x128xf32, #tpu.memory_space<vmem>>
    %dma_wait3A_144 = tpu.memref_squeeze %dma_wait3A_143 : memref<1x64x128xf32, #tpu.memory_space<vmem>> -> memref<64x128xf32, #tpu.memory_space<vmem>>
    %dma_wait3A_145 = arith.constant 64 : i32
    %dma_wait3A_146 = tpu.memref_slice %arg6[%dma_wait3A_145] : memref<512xi32, #tpu.memory_space<vmem>> -> memref<64xi32, #tpu.memory_space<vmem>>
    %dma_wait3A_147 = arith.constant 0 : i32
    %dma_wait3A_148 = arith.constant 0 : i32
    %dma_wait3A_149 = tpu.memref_slice %arg4[%dma_wait3A_147, %dma_wait3A_148] : memref<100000x128xf32, #tpu.memory_space<hbm>> -> memref<100000x128xf32, #tpu.memory_space<hbm>>
    tpu.wait_indirect_dma semaphore(%arg11 : memref<!tpu.dma_semaphore, #tpu.memory_space<semaphore_mem>>) src(%dma_wait3A_149 : memref<100000x128xf32, #tpu.memory_space<hbm>>) dst(%dma_wait3A_144 : memref<64x128xf32, #tpu.memory_space<vmem>>)
    %dma_wait3A_150 = arith.constant 1 : i32
    %dma_wait3A_151 = arith.constant 0 : i32
    %dma_wait3A_152 = arith.constant 0 : i32
    %dma_wait3A_153 = tpu.memref_slice %arg8[%dma_wait3A_150, %dma_wait3A_151, %dma_wait3A_152] : memref<4x64x128xf32, #tpu.memory_space<vmem>> -> memref<1x64x128xf32, #tpu.memory_space<vmem>>
    %dma_wait3A_154 = tpu.memref_squeeze %dma_wait3A_153 : memref<1x64x128xf32, #tpu.memory_space<vmem>> -> memref<64x128xf32, #tpu.memory_space<vmem>>
    %dma_wait3A_155 = arith.constant 0 : i32
    %dma_wait3A_156 = tpu.memref_slice %arg2[%add3A_20, %dma_wait3A_155] : memref<16384x128xf32, #tpu.memory_space<hbm>> -> memref<64x128xf32, #tpu.memory_space<hbm>>
    %dma_wait3A_157 = arith.constant 0 : i32
    %dma_wait3A_158 = arith.constant 0 : i32
    %dma_wait3A_159 = tpu.memref_slice %arg8[%dma_wait3A_150, %dma_wait3A_157, %dma_wait3A_158] : memref<4x64x128xf32, #tpu.memory_space<vmem>> -> memref<1x64x128xf32, #tpu.memory_space<vmem>>
    %dma_wait3A_160 = tpu.memref_squeeze %dma_wait3A_159 : memref<1x64x128xf32, #tpu.memory_space<vmem>> -> memref<64x128xf32, #tpu.memory_space<vmem>>
    %dma_wait3A_161 = arith.constant 0 : i32
    %dma_wait3A_162 = tpu.memref_slice %arg2[%add3A_20, %dma_wait3A_161] : memref<16384x128xf32, #tpu.memory_space<hbm>> -> memref<64x128xf32, #tpu.memory_space<hbm>>
    tpu.wait_dma2 semaphore(%arg15 : memref<!tpu.dma_semaphore, #tpu.memory_space<semaphore_mem>>) src(%dma_wait3A_162 : memref<64x128xf32, #tpu.memory_space<hbm>>) dst(%dma_wait3A_160 : memref<64x128xf32, #tpu.memory_space<vmem>>)
    %dma_start3A_163 = arith.constant 0 : i32
    %dma_start3A_164 = arith.constant 0 : i32
    %dma_start3A_165 = arith.constant 0 : i32
    %dma_start3A_166 = tpu.memref_slice %arg7[%dma_start3A_163, %dma_start3A_164, %dma_start3A_165] : memref<4x64x128xf32, #tpu.memory_space<vmem>> -> memref<1x64x128xf32, #tpu.memory_space<vmem>>
    %dma_start3A_167 = tpu.memref_squeeze %dma_start3A_166 : memref<1x64x128xf32, #tpu.memory_space<vmem>> -> memref<64x128xf32, #tpu.memory_space<vmem>>
    %dma_start3A_168 = arith.constant 256 : i32
    %dma_start3A_169 = tpu.memref_slice %arg6[%dma_start3A_168] : memref<512xi32, #tpu.memory_space<vmem>> -> memref<64xi32, #tpu.memory_space<vmem>>
    %dma_start3A_170 = arith.constant 0 : i32
    %dma_start3A_171 = arith.constant 0 : i32
    %dma_start3A_172 = tpu.memref_slice %arg4[%dma_start3A_170, %dma_start3A_171] : memref<100000x128xf32, #tpu.memory_space<hbm>> -> memref<100000x128xf32, #tpu.memory_space<hbm>>
    tpu.enqueue_indirect_dma source(%dma_start3A_172 : memref<100000x128xf32, #tpu.memory_space<hbm>>) target(%dma_start3A_167 : memref<64x128xf32, #tpu.memory_space<vmem>>) offsets(%dma_start3A_169 : memref<64xi32, #tpu.memory_space<vmem>>) semaphore(%arg10 : memref<!tpu.dma_semaphore, #tpu.memory_space<semaphore_mem>>)
    %add3A_173 = arith.constant 256 : i32
    %add3A_174 = arith.addi %mul3A_2, %add3A_173 : i32
    %dma_start3A_175 = arith.constant 0 : i32
    %dma_start3A_176 = arith.constant 0 : i32
    %dma_start3A_177 = arith.constant 0 : i32
    %dma_start3A_178 = tpu.memref_slice %arg8[%dma_start3A_175, %dma_start3A_176, %dma_start3A_177] : memref<4x64x128xf32, #tpu.memory_space<vmem>> -> memref<1x64x128xf32, #tpu.memory_space<vmem>>
    %dma_start3A_179 = tpu.memref_squeeze %dma_start3A_178 : memref<1x64x128xf32, #tpu.memory_space<vmem>> -> memref<64x128xf32, #tpu.memory_space<vmem>>
    %dma_start3A_180 = arith.constant 0 : i32
    %dma_start3A_181 = tpu.memref_slice %arg2[%add3A_174, %dma_start3A_180] : memref<16384x128xf32, #tpu.memory_space<hbm>> -> memref<64x128xf32, #tpu.memory_space<hbm>>
    %dma_start3A_182 = arith.constant 0 : i32
    %dma_start3A_183 = arith.constant 0 : i32
    %dma_start3A_184 = tpu.memref_slice %arg8[%dma_start3A_175, %dma_start3A_182, %dma_start3A_183] : memref<4x64x128xf32, #tpu.memory_space<vmem>> -> memref<1x64x128xf32, #tpu.memory_space<vmem>>
    %dma_start3A_185 = tpu.memref_squeeze %dma_start3A_184 : memref<1x64x128xf32, #tpu.memory_space<vmem>> -> memref<64x128xf32, #tpu.memory_space<vmem>>
    %dma_start3A_186 = arith.constant 0 : i32
    %dma_start3A_187 = tpu.memref_slice %arg2[%add3A_174, %dma_start3A_186] : memref<16384x128xf32, #tpu.memory_space<hbm>> -> memref<64x128xf32, #tpu.memory_space<hbm>>
    tpu.enqueue_dma source(%dma_start3A_187 : memref<64x128xf32, #tpu.memory_space<hbm>>) target(%dma_start3A_185 : memref<64x128xf32, #tpu.memory_space<vmem>>) target_semaphore(%arg14 : memref<!tpu.dma_semaphore, #tpu.memory_space<semaphore_mem>>)
    %scan3A_188 = arith.constant 0 : i32
    %scan3A_189 = arith.constant 64 : i32
    %scan3A_190 = arith.addi %scan3A_188, %scan3A_189 : i32
    %scan3A_191 = arith.constant 1 : i32
    %scan3A_192:4 = scf.for %scan3A_449 = %scan3A_188 to %scan3A_190 step %scan3A_191 iter_args(%scan3A_450 = %scan3A_138#0, %scan3A_451 = %scan3A_138#1, %scan3A_452 = %scan3A_138#2, %scan3A_453 = %scan3A_138#3) -> (vector<16xf32>, vector<16xf32>, vector<16xf32>, vector<16xf32>)  : i32 {
      %get3A = arith.constant 1 : i32
      %get3A_454 = arith.index_cast %get3A : i32 to index
      %get3A_455 = arith.index_cast %scan3A_449 : i32 to index
      %get3A_456 = arith.constant 0 : index
      %get3A_457 = tpu.vector_load %arg8[%get3A_454, %get3A_455, %get3A_456] {strides = array<i32>} : memref<4x64x128xf32, #tpu.memory_space<vmem>>, vector<1x1x16xf32>,
      %get3A_458 = vector.shape_cast %get3A_457 : vector<1x1x16xf32> to vector<16xf32>
      %get3A_459 = arith.constant 1 : i32
      %get3A_460 = arith.index_cast %get3A_459 : i32 to index
      %get3A_461 = arith.index_cast %scan3A_449 : i32 to index
      %get3A_462 = arith.constant 0 : index
      %get3A_463 = tpu.vector_load %arg7[%get3A_460, %get3A_461, %get3A_462] {strides = array<i32>} : memref<4x64x128xf32, #tpu.memory_space<vmem>>, vector<1x1x16xf32>,
      %get3A_464 = vector.shape_cast %get3A_463 : vector<1x1x16xf32> to vector<16xf32>
      %sub3A = arith.subf %get3A_458, %get3A_464 : vector<16xf32>
      %mul3A_465 = arith.mulf %sub3A, %sub3A : vector<16xf32>
      %add3A_466 = arith.addf %scan3A_450, %mul3A_465 : vector<16xf32>
      %get3A_467 = arith.constant 1 : i32
      %get3A_468 = arith.index_cast %get3A_467 : i32 to index
      %get3A_469 = arith.index_cast %scan3A_449 : i32 to index
      %get3A_470 = arith.constant 16 : index
      %get3A_471 = tpu.vector_load %arg8[%get3A_468, %get3A_469, %get3A_470] {strides = array<i32>} : memref<4x64x128xf32, #tpu.memory_space<vmem>>, vector<1x1x16xf32>,
      %get3A_472 = vector.shape_cast %get3A_471 : vector<1x1x16xf32> to vector<16xf32>
      %get3A_473 = arith.constant 1 : i32
      %get3A_474 = arith.index_cast %get3A_473 : i32 to index
      %get3A_475 = arith.index_cast %scan3A_449 : i32 to index
      %get3A_476 = arith.constant 16 : index
      %get3A_477 = tpu.vector_load %arg7[%get3A_474, %get3A_475, %get3A_476] {strides = array<i32>} : memref<4x64x128xf32, #tpu.memory_space<vmem>>, vector<1x1x16xf32>,
      %get3A_478 = vector.shape_cast %get3A_477 : vector<1x1x16xf32> to vector<16xf32>
      %sub3A_479 = arith.subf %get3A_472, %get3A_478 : vector<16xf32>
      %mul3A_480 = arith.mulf %sub3A_479, %sub3A_479 : vector<16xf32>
      %add3A_481 = arith.addf %scan3A_451, %mul3A_480 : vector<16xf32>
      %get3A_482 = arith.constant 1 : i32
      %get3A_483 = arith.index_cast %get3A_482 : i32 to index
      %get3A_484 = arith.index_cast %scan3A_449 : i32 to index
      %get3A_485 = arith.constant 32 : index
      %get3A_486 = tpu.vector_load %arg8[%get3A_483, %get3A_484, %get3A_485] {strides = array<i32>} : memref<4x64x128xf32, #tpu.memory_space<vmem>>, vector<1x1x16xf32>,
      %get3A_487 = vector.shape_cast %get3A_486 : vector<1x1x16xf32> to vector<16xf32>
      %get3A_488 = arith.constant 1 : i32
      %get3A_489 = arith.index_cast %get3A_488 : i32 to index
      %get3A_490 = arith.index_cast %scan3A_449 : i32 to index
      %get3A_491 = arith.constant 32 : index
      %get3A_492 = tpu.vector_load %arg7[%get3A_489, %get3A_490, %get3A_491] {strides = array<i32>} : memref<4x64x128xf32, #tpu.memory_space<vmem>>, vector<1x1x16xf32>,
      %get3A_493 = vector.shape_cast %get3A_492 : vector<1x1x16xf32> to vector<16xf32>
      %sub3A_494 = arith.subf %get3A_487, %get3A_493 : vector<16xf32>
      %mul3A_495 = arith.mulf %sub3A_494, %sub3A_494 : vector<16xf32>
      %add3A_496 = arith.addf %scan3A_452, %mul3A_495 : vector<16xf32>
      %get3A_497 = arith.constant 1 : i32
      %get3A_498 = arith.index_cast %get3A_497 : i32 to index
      %get3A_499 = arith.index_cast %scan3A_449 : i32 to index
      %get3A_500 = arith.constant 48 : index
      %get3A_501 = tpu.vector_load %arg8[%get3A_498, %get3A_499, %get3A_500] {strides = array<i32>} : memref<4x64x128xf32, #tpu.memory_space<vmem>>, vector<1x1x16xf32>,
      %get3A_502 = vector.shape_cast %get3A_501 : vector<1x1x16xf32> to vector<16xf32>
      %get3A_503 = arith.constant 1 : i32
      %get3A_504 = arith.index_cast %get3A_503 : i32 to index
      %get3A_505 = arith.index_cast %scan3A_449 : i32 to index
      %get3A_506 = arith.constant 48 : index
      %get3A_507 = tpu.vector_load %arg7[%get3A_504, %get3A_505, %get3A_506] {strides = array<i32>} : memref<4x64x128xf32, #tpu.memory_space<vmem>>, vector<1x1x16xf32>,
      %get3A_508 = vector.shape_cast %get3A_507 : vector<1x1x16xf32> to vector<16xf32>
      %sub3A_509 = arith.subf %get3A_502, %get3A_508 : vector<16xf32>
      %mul3A_510 = arith.mulf %sub3A_509, %sub3A_509 : vector<16xf32>
      %add3A_511 = arith.addf %scan3A_453, %mul3A_510 : vector<16xf32>
      %get3A_512 = arith.constant 1 : i32
      %get3A_513 = arith.index_cast %get3A_512 : i32 to index
      %get3A_514 = arith.index_cast %scan3A_449 : i32 to index
      %get3A_515 = arith.constant 64 : index
      %get3A_516 = tpu.vector_load %arg8[%get3A_513, %get3A_514, %get3A_515] {strides = array<i32>} : memref<4x64x128xf32, #tpu.memory_space<vmem>>, vector<1x1x16xf32>,
      %get3A_517 = vector.shape_cast %get3A_516 : vector<1x1x16xf32> to vector<16xf32>
      %get3A_518 = arith.constant 1 : i32
      %get3A_519 = arith.index_cast %get3A_518 : i32 to index
      %get3A_520 = arith.index_cast %scan3A_449 : i32 to index
      %get3A_521 = arith.constant 64 : index
      %get3A_522 = tpu.vector_load %arg7[%get3A_519, %get3A_520, %get3A_521] {strides = array<i32>} : memref<4x64x128xf32, #tpu.memory_space<vmem>>, vector<1x1x16xf32>,
      %get3A_523 = vector.shape_cast %get3A_522 : vector<1x1x16xf32> to vector<16xf32>
      %sub3A_524 = arith.subf %get3A_517, %get3A_523 : vector<16xf32>
      %mul3A_525 = arith.mulf %sub3A_524, %sub3A_524 : vector<16xf32>
      %add3A_526 = arith.addf %add3A_466, %mul3A_525 : vector<16xf32>
      %get3A_527 = arith.constant 1 : i32
      %get3A_528 = arith.index_cast %get3A_527 : i32 to index
      %get3A_529 = arith.index_cast %scan3A_449 : i32 to index
      %get3A_530 = arith.constant 80 : index
      %get3A_531 = tpu.vector_load %arg8[%get3A_528, %get3A_529, %get3A_530] {strides = array<i32>} : memref<4x64x128xf32, #tpu.memory_space<vmem>>, vector<1x1x16xf32>,
      %get3A_532 = vector.shape_cast %get3A_531 : vector<1x1x16xf32> to vector<16xf32>
      %get3A_533 = arith.constant 1 : i32
      %get3A_534 = arith.index_cast %get3A_533 : i32 to index
      %get3A_535 = arith.index_cast %scan3A_449 : i32 to index
      %get3A_536 = arith.constant 80 : index
      %get3A_537 = tpu.vector_load %arg7[%get3A_534, %get3A_535, %get3A_536] {strides = array<i32>} : memref<4x64x128xf32, #tpu.memory_space<vmem>>, vector<1x1x16xf32>,
      %get3A_538 = vector.shape_cast %get3A_537 : vector<1x1x16xf32> to vector<16xf32>
      %sub3A_539 = arith.subf %get3A_532, %get3A_538 : vector<16xf32>
      %mul3A_540 = arith.mulf %sub3A_539, %sub3A_539 : vector<16xf32>
      %add3A_541 = arith.addf %add3A_481, %mul3A_540 : vector<16xf32>
      %get3A_542 = arith.constant 1 : i32
      %get3A_543 = arith.index_cast %get3A_542 : i32 to index
      %get3A_544 = arith.index_cast %scan3A_449 : i32 to index
      %get3A_545 = arith.constant 96 : index
      %get3A_546 = tpu.vector_load %arg8[%get3A_543, %get3A_544, %get3A_545] {strides = array<i32>} : memref<4x64x128xf32, #tpu.memory_space<vmem>>, vector<1x1x16xf32>,
      %get3A_547 = vector.shape_cast %get3A_546 : vector<1x1x16xf32> to vector<16xf32>
      %get3A_548 = arith.constant 1 : i32
      %get3A_549 = arith.index_cast %get3A_548 : i32 to index
      %get3A_550 = arith.index_cast %scan3A_449 : i32 to index
      %get3A_551 = arith.constant 96 : index
      %get3A_552 = tpu.vector_load %arg7[%get3A_549, %get3A_550, %get3A_551] {strides = array<i32>} : memref<4x64x128xf32, #tpu.memory_space<vmem>>, vector<1x1x16xf32>,
      %get3A_553 = vector.shape_cast %get3A_552 : vector<1x1x16xf32> to vector<16xf32>
      %sub3A_554 = arith.subf %get3A_547, %get3A_553 : vector<16xf32>
      %mul3A_555 = arith.mulf %sub3A_554, %sub3A_554 : vector<16xf32>
      %add3A_556 = arith.addf %add3A_496, %mul3A_555 : vector<16xf32>
      %get3A_557 = arith.constant 1 : i32
      %get3A_558 = arith.index_cast %get3A_557 : i32 to index
      %get3A_559 = arith.index_cast %scan3A_449 : i32 to index
      %get3A_560 = arith.constant 112 : index
      %get3A_561 = tpu.vector_load %arg8[%get3A_558, %get3A_559, %get3A_560] {strides = array<i32>} : memref<4x64x128xf32, #tpu.memory_space<vmem>>, vector<1x1x16xf32>,
      %get3A_562 = vector.shape_cast %get3A_561 : vector<1x1x16xf32> to vector<16xf32>
      %get3A_563 = arith.constant 1 : i32
      %get3A_564 = arith.index_cast %get3A_563 : i32 to index
      %get3A_565 = arith.index_cast %scan3A_449 : i32 to index
      %get3A_566 = arith.constant 112 : index
      %get3A_567 = tpu.vector_load %arg7[%get3A_564, %get3A_565, %get3A_566] {strides = array<i32>} : memref<4x64x128xf32, #tpu.memory_space<vmem>>, vector<1x1x16xf32>,
      %get3A_568 = vector.shape_cast %get3A_567 : vector<1x1x16xf32> to vector<16xf32>
      %sub3A_569 = arith.subf %get3A_562, %get3A_568 : vector<16xf32>
      %mul3A_570 = arith.mulf %sub3A_569, %sub3A_569 : vector<16xf32>
      %add3A_571 = arith.addf %add3A_511, %mul3A_570 : vector<16xf32>
      scf.yield %add3A_526, %add3A_541, %add3A_556, %add3A_571 : vector<16xf32>, vector<16xf32>, vector<16xf32>, vector<16xf32>
    }
    %scan3A_193 = arith.constant 64 : i32
    %dma_wait3A_194 = arith.constant 2 : i32
    %dma_wait3A_195 = arith.constant 0 : i32
    %dma_wait3A_196 = arith.constant 0 : i32
    %dma_wait3A_197 = tpu.memref_slice %arg7[%dma_wait3A_194, %dma_wait3A_195, %dma_wait3A_196] : memref<4x64x128xf32, #tpu.memory_space<vmem>> -> memref<1x64x128xf32, #tpu.memory_space<vmem>>
    %dma_wait3A_198 = tpu.memref_squeeze %dma_wait3A_197 : memref<1x64x128xf32, #tpu.memory_space<vmem>> -> memref<64x128xf32, #tpu.memory_space<vmem>>
    %dma_wait3A_199 = arith.constant 128 : i32
    %dma_wait3A_200 = tpu.memref_slice %arg6[%dma_wait3A_199] : memref<512xi32, #tpu.memory_space<vmem>> -> memref<64xi32, #tpu.memory_space<vmem>>
    %dma_wait3A_201 = arith.constant 0 : i32
    %dma_wait3A_202 = arith.constant 0 : i32
    %dma_wait3A_203 = tpu.memref_slice %arg4[%dma_wait3A_201, %dma_wait3A_202] : memref<100000x128xf32, #tpu.memory_space<hbm>> -> memref<100000x128xf32, #tpu.memory_space<hbm>>
    tpu.wait_indirect_dma semaphore(%arg12 : memref<!tpu.dma_semaphore, #tpu.memory_space<semaphore_mem>>) src(%dma_wait3A_203 : memref<100000x128xf32, #tpu.memory_space<hbm>>) dst(%dma_wait3A_198 : memref<64x128xf32, #tpu.memory_space<vmem>>)
    %dma_wait3A_204 = arith.constant 2 : i32
    %dma_wait3A_205 = arith.constant 0 : i32
    %dma_wait3A_206 = arith.constant 0 : i32
    %dma_wait3A_207 = tpu.memref_slice %arg8[%dma_wait3A_204, %dma_wait3A_205, %dma_wait3A_206] : memref<4x64x128xf32, #tpu.memory_space<vmem>> -> memref<1x64x128xf32, #tpu.memory_space<vmem>>
    %dma_wait3A_208 = tpu.memref_squeeze %dma_wait3A_207 : memref<1x64x128xf32, #tpu.memory_space<vmem>> -> memref<64x128xf32, #tpu.memory_space<vmem>>
    %dma_wait3A_209 = arith.constant 0 : i32
    %dma_wait3A_210 = tpu.memref_slice %arg2[%add3A_35, %dma_wait3A_209] : memref<16384x128xf32, #tpu.memory_space<hbm>> -> memref<64x128xf32, #tpu.memory_space<hbm>>
    %dma_wait3A_211 = arith.constant 0 : i32
    %dma_wait3A_212 = arith.constant 0 : i32
    %dma_wait3A_213 = tpu.memref_slice %arg8[%dma_wait3A_204, %dma_wait3A_211, %dma_wait3A_212] : memref<4x64x128xf32, #tpu.memory_space<vmem>> -> memref<1x64x128xf32, #tpu.memory_space<vmem>>
    %dma_wait3A_214 = tpu.memref_squeeze %dma_wait3A_213 : memref<1x64x128xf32, #tpu.memory_space<vmem>> -> memref<64x128xf32, #tpu.memory_space<vmem>>
    %dma_wait3A_215 = arith.constant 0 : i32
    %dma_wait3A_216 = tpu.memref_slice %arg2[%add3A_35, %dma_wait3A_215] : memref<16384x128xf32, #tpu.memory_space<hbm>> -> memref<64x128xf32, #tpu.memory_space<hbm>>
    tpu.wait_dma2 semaphore(%arg16 : memref<!tpu.dma_semaphore, #tpu.memory_space<semaphore_mem>>) src(%dma_wait3A_216 : memref<64x128xf32, #tpu.memory_space<hbm>>) dst(%dma_wait3A_214 : memref<64x128xf32, #tpu.memory_space<vmem>>)
    %dma_start3A_217 = arith.constant 1 : i32
    %dma_start3A_218 = arith.constant 0 : i32
    %dma_start3A_219 = arith.constant 0 : i32
    %dma_start3A_220 = tpu.memref_slice %arg7[%dma_start3A_217, %dma_start3A_218, %dma_start3A_219] : memref<4x64x128xf32, #tpu.memory_space<vmem>> -> memref<1x64x128xf32, #tpu.memory_space<vmem>>
    %dma_start3A_221 = tpu.memref_squeeze %dma_start3A_220 : memref<1x64x128xf32, #tpu.memory_space<vmem>> -> memref<64x128xf32, #tpu.memory_space<vmem>>
    %dma_start3A_222 = arith.constant 320 : i32
    %dma_start3A_223 = tpu.memref_slice %arg6[%dma_start3A_222] : memref<512xi32, #tpu.memory_space<vmem>> -> memref<64xi32, #tpu.memory_space<vmem>>
    %dma_start3A_224 = arith.constant 0 : i32
    %dma_start3A_225 = arith.constant 0 : i32
    %dma_start3A_226 = tpu.memref_slice %arg4[%dma_start3A_224, %dma_start3A_225] : memref<100000x128xf32, #tpu.memory_space<hbm>> -> memref<100000x128xf32, #tpu.memory_space<hbm>>
    tpu.enqueue_indirect_dma source(%dma_start3A_226 : memref<100000x128xf32, #tpu.memory_space<hbm>>) target(%dma_start3A_221 : memref<64x128xf32, #tpu.memory_space<vmem>>) offsets(%dma_start3A_223 : memref<64xi32, #tpu.memory_space<vmem>>) semaphore(%arg11 : memref<!tpu.dma_semaphore, #tpu.memory_space<semaphore_mem>>)
    %add3A_227 = arith.constant 320 : i32
    %add3A_228 = arith.addi %mul3A_2, %add3A_227 : i32
    %dma_start3A_229 = arith.constant 1 : i32
    %dma_start3A_230 = arith.constant 0 : i32
    %dma_start3A_231 = arith.constant 0 : i32
    %dma_start3A_232 = tpu.memref_slice %arg8[%dma_start3A_229, %dma_start3A_230, %dma_start3A_231] : memref<4x64x128xf32, #tpu.memory_space<vmem>> -> memref<1x64x128xf32, #tpu.memory_space<vmem>>
    %dma_start3A_233 = tpu.memref_squeeze %dma_start3A_232 : memref<1x64x128xf32, #tpu.memory_space<vmem>> -> memref<64x128xf32, #tpu.memory_space<vmem>>
    %dma_start3A_234 = arith.constant 0 : i32
    %dma_start3A_235 = tpu.memref_slice %arg2[%add3A_228, %dma_start3A_234] : memref<16384x128xf32, #tpu.memory_space<hbm>> -> memref<64x128xf32, #tpu.memory_space<hbm>>
    %dma_start3A_236 = arith.constant 0 : i32
    %dma_start3A_237 = arith.constant 0 : i32
    %dma_start3A_238 = tpu.memref_slice %arg8[%dma_start3A_229, %dma_start3A_236, %dma_start3A_237] : memref<4x64x128xf32, #tpu.memory_space<vmem>> -> memref<1x64x128xf32, #tpu.memory_space<vmem>>
    %dma_start3A_239 = tpu.memref_squeeze %dma_start3A_238 : memref<1x64x128xf32, #tpu.memory_space<vmem>> -> memref<64x128xf32, #tpu.memory_space<vmem>>
    %dma_start3A_240 = arith.constant 0 : i32
    %dma_start3A_241 = tpu.memref_slice %arg2[%add3A_228, %dma_start3A_240] : memref<16384x128xf32, #tpu.memory_space<hbm>> -> memref<64x128xf32, #tpu.memory_space<hbm>>
    tpu.enqueue_dma source(%dma_start3A_241 : memref<64x128xf32, #tpu.memory_space<hbm>>) target(%dma_start3A_239 : memref<64x128xf32, #tpu.memory_space<vmem>>) target_semaphore(%arg15 : memref<!tpu.dma_semaphore, #tpu.memory_space<semaphore_mem>>)
    %scan3A_242 = arith.constant 0 : i32
    %scan3A_243 = arith.constant 64 : i32
    %scan3A_244 = arith.addi %scan3A_242, %scan3A_243 : i32
    %scan3A_245 = arith.constant 1 : i32
    %scan3A_246:4 = scf.for %scan3A_449 = %scan3A_242 to %scan3A_244 step %scan3A_245 iter_args(%scan3A_450 = %scan3A_192#0, %scan3A_451 = %scan3A_192#1, %scan3A_452 = %scan3A_192#2, %scan3A_453 = %scan3A_192#3) -> (vector<16xf32>, vector<16xf32>, vector<16xf32>, vector<16xf32>)  : i32 {
      %get3A = arith.constant 2 : i32
      %get3A_454 = arith.index_cast %get3A : i32 to index
      %get3A_455 = arith.index_cast %scan3A_449 : i32 to index
      %get3A_456 = arith.constant 0 : index
      %get3A_457 = tpu.vector_load %arg8[%get3A_454, %get3A_455, %get3A_456] {strides = array<i32>} : memref<4x64x128xf32, #tpu.memory_space<vmem>>, vector<1x1x16xf32>,
      %get3A_458 = vector.shape_cast %get3A_457 : vector<1x1x16xf32> to vector<16xf32>
      %get3A_459 = arith.constant 2 : i32
      %get3A_460 = arith.index_cast %get3A_459 : i32 to index
      %get3A_461 = arith.index_cast %scan3A_449 : i32 to index
      %get3A_462 = arith.constant 0 : index
      %get3A_463 = tpu.vector_load %arg7[%get3A_460, %get3A_461, %get3A_462] {strides = array<i32>} : memref<4x64x128xf32, #tpu.memory_space<vmem>>, vector<1x1x16xf32>,
      %get3A_464 = vector.shape_cast %get3A_463 : vector<1x1x16xf32> to vector<16xf32>
      %sub3A = arith.subf %get3A_458, %get3A_464 : vector<16xf32>
      %mul3A_465 = arith.mulf %sub3A, %sub3A : vector<16xf32>
      %add3A_466 = arith.addf %scan3A_450, %mul3A_465 : vector<16xf32>
      %get3A_467 = arith.constant 2 : i32
      %get3A_468 = arith.index_cast %get3A_467 : i32 to index
      %get3A_469 = arith.index_cast %scan3A_449 : i32 to index
      %get3A_470 = arith.constant 16 : index
      %get3A_471 = tpu.vector_load %arg8[%get3A_468, %get3A_469, %get3A_470] {strides = array<i32>} : memref<4x64x128xf32, #tpu.memory_space<vmem>>, vector<1x1x16xf32>,
      %get3A_472 = vector.shape_cast %get3A_471 : vector<1x1x16xf32> to vector<16xf32>
      %get3A_473 = arith.constant 2 : i32
      %get3A_474 = arith.index_cast %get3A_473 : i32 to index
      %get3A_475 = arith.index_cast %scan3A_449 : i32 to index
      %get3A_476 = arith.constant 16 : index
      %get3A_477 = tpu.vector_load %arg7[%get3A_474, %get3A_475, %get3A_476] {strides = array<i32>} : memref<4x64x128xf32, #tpu.memory_space<vmem>>, vector<1x1x16xf32>,
      %get3A_478 = vector.shape_cast %get3A_477 : vector<1x1x16xf32> to vector<16xf32>
      %sub3A_479 = arith.subf %get3A_472, %get3A_478 : vector<16xf32>
      %mul3A_480 = arith.mulf %sub3A_479, %sub3A_479 : vector<16xf32>
      %add3A_481 = arith.addf %scan3A_451, %mul3A_480 : vector<16xf32>
      %get3A_482 = arith.constant 2 : i32
      %get3A_483 = arith.index_cast %get3A_482 : i32 to index
      %get3A_484 = arith.index_cast %scan3A_449 : i32 to index
      %get3A_485 = arith.constant 32 : index
      %get3A_486 = tpu.vector_load %arg8[%get3A_483, %get3A_484, %get3A_485] {strides = array<i32>} : memref<4x64x128xf32, #tpu.memory_space<vmem>>, vector<1x1x16xf32>,
      %get3A_487 = vector.shape_cast %get3A_486 : vector<1x1x16xf32> to vector<16xf32>
      %get3A_488 = arith.constant 2 : i32
      %get3A_489 = arith.index_cast %get3A_488 : i32 to index
      %get3A_490 = arith.index_cast %scan3A_449 : i32 to index
      %get3A_491 = arith.constant 32 : index
      %get3A_492 = tpu.vector_load %arg7[%get3A_489, %get3A_490, %get3A_491] {strides = array<i32>} : memref<4x64x128xf32, #tpu.memory_space<vmem>>, vector<1x1x16xf32>,
      %get3A_493 = vector.shape_cast %get3A_492 : vector<1x1x16xf32> to vector<16xf32>
      %sub3A_494 = arith.subf %get3A_487, %get3A_493 : vector<16xf32>
      %mul3A_495 = arith.mulf %sub3A_494, %sub3A_494 : vector<16xf32>
      %add3A_496 = arith.addf %scan3A_452, %mul3A_495 : vector<16xf32>
      %get3A_497 = arith.constant 2 : i32
      %get3A_498 = arith.index_cast %get3A_497 : i32 to index
      %get3A_499 = arith.index_cast %scan3A_449 : i32 to index
      %get3A_500 = arith.constant 48 : index
      %get3A_501 = tpu.vector_load %arg8[%get3A_498, %get3A_499, %get3A_500] {strides = array<i32>} : memref<4x64x128xf32, #tpu.memory_space<vmem>>, vector<1x1x16xf32>,
      %get3A_502 = vector.shape_cast %get3A_501 : vector<1x1x16xf32> to vector<16xf32>
      %get3A_503 = arith.constant 2 : i32
      %get3A_504 = arith.index_cast %get3A_503 : i32 to index
      %get3A_505 = arith.index_cast %scan3A_449 : i32 to index
      %get3A_506 = arith.constant 48 : index
      %get3A_507 = tpu.vector_load %arg7[%get3A_504, %get3A_505, %get3A_506] {strides = array<i32>} : memref<4x64x128xf32, #tpu.memory_space<vmem>>, vector<1x1x16xf32>,
      %get3A_508 = vector.shape_cast %get3A_507 : vector<1x1x16xf32> to vector<16xf32>
      %sub3A_509 = arith.subf %get3A_502, %get3A_508 : vector<16xf32>
      %mul3A_510 = arith.mulf %sub3A_509, %sub3A_509 : vector<16xf32>
      %add3A_511 = arith.addf %scan3A_453, %mul3A_510 : vector<16xf32>
      %get3A_512 = arith.constant 2 : i32
      %get3A_513 = arith.index_cast %get3A_512 : i32 to index
      %get3A_514 = arith.index_cast %scan3A_449 : i32 to index
      %get3A_515 = arith.constant 64 : index
      %get3A_516 = tpu.vector_load %arg8[%get3A_513, %get3A_514, %get3A_515] {strides = array<i32>} : memref<4x64x128xf32, #tpu.memory_space<vmem>>, vector<1x1x16xf32>,
      %get3A_517 = vector.shape_cast %get3A_516 : vector<1x1x16xf32> to vector<16xf32>
      %get3A_518 = arith.constant 2 : i32
      %get3A_519 = arith.index_cast %get3A_518 : i32 to index
      %get3A_520 = arith.index_cast %scan3A_449 : i32 to index
      %get3A_521 = arith.constant 64 : index
      %get3A_522 = tpu.vector_load %arg7[%get3A_519, %get3A_520, %get3A_521] {strides = array<i32>} : memref<4x64x128xf32, #tpu.memory_space<vmem>>, vector<1x1x16xf32>,
      %get3A_523 = vector.shape_cast %get3A_522 : vector<1x1x16xf32> to vector<16xf32>
      %sub3A_524 = arith.subf %get3A_517, %get3A_523 : vector<16xf32>
      %mul3A_525 = arith.mulf %sub3A_524, %sub3A_524 : vector<16xf32>
      %add3A_526 = arith.addf %add3A_466, %mul3A_525 : vector<16xf32>
      %get3A_527 = arith.constant 2 : i32
      %get3A_528 = arith.index_cast %get3A_527 : i32 to index
      %get3A_529 = arith.index_cast %scan3A_449 : i32 to index
      %get3A_530 = arith.constant 80 : index
      %get3A_531 = tpu.vector_load %arg8[%get3A_528, %get3A_529, %get3A_530] {strides = array<i32>} : memref<4x64x128xf32, #tpu.memory_space<vmem>>, vector<1x1x16xf32>,
      %get3A_532 = vector.shape_cast %get3A_531 : vector<1x1x16xf32> to vector<16xf32>
      %get3A_533 = arith.constant 2 : i32
      %get3A_534 = arith.index_cast %get3A_533 : i32 to index
      %get3A_535 = arith.index_cast %scan3A_449 : i32 to index
      %get3A_536 = arith.constant 80 : index
      %get3A_537 = tpu.vector_load %arg7[%get3A_534, %get3A_535, %get3A_536] {strides = array<i32>} : memref<4x64x128xf32, #tpu.memory_space<vmem>>, vector<1x1x16xf32>,
      %get3A_538 = vector.shape_cast %get3A_537 : vector<1x1x16xf32> to vector<16xf32>
      %sub3A_539 = arith.subf %get3A_532, %get3A_538 : vector<16xf32>
      %mul3A_540 = arith.mulf %sub3A_539, %sub3A_539 : vector<16xf32>
      %add3A_541 = arith.addf %add3A_481, %mul3A_540 : vector<16xf32>
      %get3A_542 = arith.constant 2 : i32
      %get3A_543 = arith.index_cast %get3A_542 : i32 to index
      %get3A_544 = arith.index_cast %scan3A_449 : i32 to index
      %get3A_545 = arith.constant 96 : index
      %get3A_546 = tpu.vector_load %arg8[%get3A_543, %get3A_544, %get3A_545] {strides = array<i32>} : memref<4x64x128xf32, #tpu.memory_space<vmem>>, vector<1x1x16xf32>,
      %get3A_547 = vector.shape_cast %get3A_546 : vector<1x1x16xf32> to vector<16xf32>
      %get3A_548 = arith.constant 2 : i32
      %get3A_549 = arith.index_cast %get3A_548 : i32 to index
      %get3A_550 = arith.index_cast %scan3A_449 : i32 to index
      %get3A_551 = arith.constant 96 : index
      %get3A_552 = tpu.vector_load %arg7[%get3A_549, %get3A_550, %get3A_551] {strides = array<i32>} : memref<4x64x128xf32, #tpu.memory_space<vmem>>, vector<1x1x16xf32>,
      %get3A_553 = vector.shape_cast %get3A_552 : vector<1x1x16xf32> to vector<16xf32>
      %sub3A_554 = arith.subf %get3A_547, %get3A_553 : vector<16xf32>
      %mul3A_555 = arith.mulf %sub3A_554, %sub3A_554 : vector<16xf32>
      %add3A_556 = arith.addf %add3A_496, %mul3A_555 : vector<16xf32>
      %get3A_557 = arith.constant 2 : i32
      %get3A_558 = arith.index_cast %get3A_557 : i32 to index
      %get3A_559 = arith.index_cast %scan3A_449 : i32 to index
      %get3A_560 = arith.constant 112 : index
      %get3A_561 = tpu.vector_load %arg8[%get3A_558, %get3A_559, %get3A_560] {strides = array<i32>} : memref<4x64x128xf32, #tpu.memory_space<vmem>>, vector<1x1x16xf32>,
      %get3A_562 = vector.shape_cast %get3A_561 : vector<1x1x16xf32> to vector<16xf32>
      %get3A_563 = arith.constant 2 : i32
      %get3A_564 = arith.index_cast %get3A_563 : i32 to index
      %get3A_565 = arith.index_cast %scan3A_449 : i32 to index
      %get3A_566 = arith.constant 112 : index
      %get3A_567 = tpu.vector_load %arg7[%get3A_564, %get3A_565, %get3A_566] {strides = array<i32>} : memref<4x64x128xf32, #tpu.memory_space<vmem>>, vector<1x1x16xf32>,
      %get3A_568 = vector.shape_cast %get3A_567 : vector<1x1x16xf32> to vector<16xf32>
      %sub3A_569 = arith.subf %get3A_562, %get3A_568 : vector<16xf32>
      %mul3A_570 = arith.mulf %sub3A_569, %sub3A_569 : vector<16xf32>
      %add3A_571 = arith.addf %add3A_511, %mul3A_570 : vector<16xf32>
      scf.yield %add3A_526, %add3A_541, %add3A_556, %add3A_571 : vector<16xf32>, vector<16xf32>, vector<16xf32>, vector<16xf32>
    }
    %scan3A_247 = arith.constant 64 : i32
    %dma_wait3A_248 = arith.constant 3 : i32
    %dma_wait3A_249 = arith.constant 0 : i32
    %dma_wait3A_250 = arith.constant 0 : i32
    %dma_wait3A_251 = tpu.memref_slice %arg7[%dma_wait3A_248, %dma_wait3A_249, %dma_wait3A_250] : memref<4x64x128xf32, #tpu.memory_space<vmem>> -> memref<1x64x128xf32, #tpu.memory_space<vmem>>
    %dma_wait3A_252 = tpu.memref_squeeze %dma_wait3A_251 : memref<1x64x128xf32, #tpu.memory_space<vmem>> -> memref<64x128xf32, #tpu.memory_space<vmem>>
    %dma_wait3A_253 = arith.constant 192 : i32
    %dma_wait3A_254 = tpu.memref_slice %arg6[%dma_wait3A_253] : memref<512xi32, #tpu.memory_space<vmem>> -> memref<64xi32, #tpu.memory_space<vmem>>
    %dma_wait3A_255 = arith.constant 0 : i32
    %dma_wait3A_256 = arith.constant 0 : i32
    %dma_wait3A_257 = tpu.memref_slice %arg4[%dma_wait3A_255, %dma_wait3A_256] : memref<100000x128xf32, #tpu.memory_space<hbm>> -> memref<100000x128xf32, #tpu.memory_space<hbm>>
    tpu.wait_indirect_dma semaphore(%arg13 : memref<!tpu.dma_semaphore, #tpu.memory_space<semaphore_mem>>) src(%dma_wait3A_257 : memref<100000x128xf32, #tpu.memory_space<hbm>>) dst(%dma_wait3A_252 : memref<64x128xf32, #tpu.memory_space<vmem>>)
    %dma_wait3A_258 = arith.constant 3 : i32
    %dma_wait3A_259 = arith.constant 0 : i32
    %dma_wait3A_260 = arith.constant 0 : i32
    %dma_wait3A_261 = tpu.memref_slice %arg8[%dma_wait3A_258, %dma_wait3A_259, %dma_wait3A_260] : memref<4x64x128xf32, #tpu.memory_space<vmem>> -> memref<1x64x128xf32, #tpu.memory_space<vmem>>
    %dma_wait3A_262 = tpu.memref_squeeze %dma_wait3A_261 : memref<1x64x128xf32, #tpu.memory_space<vmem>> -> memref<64x128xf32, #tpu.memory_space<vmem>>
    %dma_wait3A_263 = arith.constant 0 : i32
    %dma_wait3A_264 = tpu.memref_slice %arg2[%add3A_121, %dma_wait3A_263] : memref<16384x128xf32, #tpu.memory_space<hbm>> -> memref<64x128xf32, #tpu.memory_space<hbm>>
    %dma_wait3A_265 = arith.constant 0 : i32
    %dma_wait3A_266 = arith.constant 0 : i32
    %dma_wait3A_267 = tpu.memref_slice %arg8[%dma_wait3A_258, %dma_wait3A_265, %dma_wait3A_266] : memref<4x64x128xf32, #tpu.memory_space<vmem>> -> memref<1x64x128xf32, #tpu.memory_space<vmem>>
    %dma_wait3A_268 = tpu.memref_squeeze %dma_wait3A_267 : memref<1x64x128xf32, #tpu.memory_space<vmem>> -> memref<64x128xf32, #tpu.memory_space<vmem>>
    %dma_wait3A_269 = arith.constant 0 : i32
    %dma_wait3A_270 = tpu.memref_slice %arg2[%add3A_121, %dma_wait3A_269] : memref<16384x128xf32, #tpu.memory_space<hbm>> -> memref<64x128xf32, #tpu.memory_space<hbm>>
    tpu.wait_dma2 semaphore(%arg17 : memref<!tpu.dma_semaphore, #tpu.memory_space<semaphore_mem>>) src(%dma_wait3A_270 : memref<64x128xf32, #tpu.memory_space<hbm>>) dst(%dma_wait3A_268 : memref<64x128xf32, #tpu.memory_space<vmem>>)
    %dma_start3A_271 = arith.constant 2 : i32
    %dma_start3A_272 = arith.constant 0 : i32
    %dma_start3A_273 = arith.constant 0 : i32
    %dma_start3A_274 = tpu.memref_slice %arg7[%dma_start3A_271, %dma_start3A_272, %dma_start3A_273] : memref<4x64x128xf32, #tpu.memory_space<vmem>> -> memref<1x64x128xf32, #tpu.memory_space<vmem>>
    %dma_start3A_275 = tpu.memref_squeeze %dma_start3A_274 : memref<1x64x128xf32, #tpu.memory_space<vmem>> -> memref<64x128xf32, #tpu.memory_space<vmem>>
    %dma_start3A_276 = arith.constant 384 : i32
    %dma_start3A_277 = tpu.memref_slice %arg6[%dma_start3A_276] : memref<512xi32, #tpu.memory_space<vmem>> -> memref<64xi32, #tpu.memory_space<vmem>>
    %dma_start3A_278 = arith.constant 0 : i32
    %dma_start3A_279 = arith.constant 0 : i32
    %dma_start3A_280 = tpu.memref_slice %arg4[%dma_start3A_278, %dma_start3A_279] : memref<100000x128xf32, #tpu.memory_space<hbm>> -> memref<100000x128xf32, #tpu.memory_space<hbm>>
    tpu.enqueue_indirect_dma source(%dma_start3A_280 : memref<100000x128xf32, #tpu.memory_space<hbm>>) target(%dma_start3A_275 : memref<64x128xf32, #tpu.memory_space<vmem>>) offsets(%dma_start3A_277 : memref<64xi32, #tpu.memory_space<vmem>>) semaphore(%arg12 : memref<!tpu.dma_semaphore, #tpu.memory_space<semaphore_mem>>)
    %add3A_281 = arith.constant 384 : i32
    %add3A_282 = arith.addi %mul3A_2, %add3A_281 : i32
    %dma_start3A_283 = arith.constant 2 : i32
    %dma_start3A_284 = arith.constant 0 : i32
    %dma_start3A_285 = arith.constant 0 : i32
    %dma_start3A_286 = tpu.memref_slice %arg8[%dma_start3A_283, %dma_start3A_284, %dma_start3A_285] : memref<4x64x128xf32, #tpu.memory_space<vmem>> -> memref<1x64x128xf32, #tpu.memory_space<vmem>>
    %dma_start3A_287 = tpu.memref_squeeze %dma_start3A_286 : memref<1x64x128xf32, #tpu.memory_space<vmem>> -> memref<64x128xf32, #tpu.memory_space<vmem>>
    %dma_start3A_288 = arith.constant 0 : i32
    %dma_start3A_289 = tpu.memref_slice %arg2[%add3A_282, %dma_start3A_288] : memref<16384x128xf32, #tpu.memory_space<hbm>> -> memref<64x128xf32, #tpu.memory_space<hbm>>
    %dma_start3A_290 = arith.constant 0 : i32
    %dma_start3A_291 = arith.constant 0 : i32
    %dma_start3A_292 = tpu.memref_slice %arg8[%dma_start3A_283, %dma_start3A_290, %dma_start3A_291] : memref<4x64x128xf32, #tpu.memory_space<vmem>> -> memref<1x64x128xf32, #tpu.memory_space<vmem>>
    %dma_start3A_293 = tpu.memref_squeeze %dma_start3A_292 : memref<1x64x128xf32, #tpu.memory_space<vmem>> -> memref<64x128xf32, #tpu.memory_space<vmem>>
    %dma_start3A_294 = arith.constant 0 : i32
    %dma_start3A_295 = tpu.memref_slice %arg2[%add3A_282, %dma_start3A_294] : memref<16384x128xf32, #tpu.memory_space<hbm>> -> memref<64x128xf32, #tpu.memory_space<hbm>>
    tpu.enqueue_dma source(%dma_start3A_295 : memref<64x128xf32, #tpu.memory_space<hbm>>) target(%dma_start3A_293 : memref<64x128xf32, #tpu.memory_space<vmem>>) target_semaphore(%arg16 : memref<!tpu.dma_semaphore, #tpu.memory_space<semaphore_mem>>)
    %scan3A_296 = arith.constant 0 : i32
    %scan3A_297 = arith.constant 64 : i32
    %scan3A_298 = arith.addi %scan3A_296, %scan3A_297 : i32
    %scan3A_299 = arith.constant 1 : i32
    %scan3A_300:4 = scf.for %scan3A_449 = %scan3A_296 to %scan3A_298 step %scan3A_299 iter_args(%scan3A_450 = %scan3A_246#0, %scan3A_451 = %scan3A_246#1, %scan3A_452 = %scan3A_246#2, %scan3A_453 = %scan3A_246#3) -> (vector<16xf32>, vector<16xf32>, vector<16xf32>, vector<16xf32>)  : i32 {
      %get3A = arith.constant 3 : i32
      %get3A_454 = arith.index_cast %get3A : i32 to index
      %get3A_455 = arith.index_cast %scan3A_449 : i32 to index
      %get3A_456 = arith.constant 0 : index
      %get3A_457 = tpu.vector_load %arg8[%get3A_454, %get3A_455, %get3A_456] {strides = array<i32>} : memref<4x64x128xf32, #tpu.memory_space<vmem>>, vector<1x1x16xf32>,
      %get3A_458 = vector.shape_cast %get3A_457 : vector<1x1x16xf32> to vector<16xf32>
      %get3A_459 = arith.constant 3 : i32
      %get3A_460 = arith.index_cast %get3A_459 : i32 to index
      %get3A_461 = arith.index_cast %scan3A_449 : i32 to index
      %get3A_462 = arith.constant 0 : index
      %get3A_463 = tpu.vector_load %arg7[%get3A_460, %get3A_461, %get3A_462] {strides = array<i32>} : memref<4x64x128xf32, #tpu.memory_space<vmem>>, vector<1x1x16xf32>,
      %get3A_464 = vector.shape_cast %get3A_463 : vector<1x1x16xf32> to vector<16xf32>
      %sub3A = arith.subf %get3A_458, %get3A_464 : vector<16xf32>
      %mul3A_465 = arith.mulf %sub3A, %sub3A : vector<16xf32>
      %add3A_466 = arith.addf %scan3A_450, %mul3A_465 : vector<16xf32>
      %get3A_467 = arith.constant 3 : i32
      %get3A_468 = arith.index_cast %get3A_467 : i32 to index
      %get3A_469 = arith.index_cast %scan3A_449 : i32 to index
      %get3A_470 = arith.constant 16 : index
      %get3A_471 = tpu.vector_load %arg8[%get3A_468, %get3A_469, %get3A_470] {strides = array<i32>} : memref<4x64x128xf32, #tpu.memory_space<vmem>>, vector<1x1x16xf32>,
      %get3A_472 = vector.shape_cast %get3A_471 : vector<1x1x16xf32> to vector<16xf32>
      %get3A_473 = arith.constant 3 : i32
      %get3A_474 = arith.index_cast %get3A_473 : i32 to index
      %get3A_475 = arith.index_cast %scan3A_449 : i32 to index
      %get3A_476 = arith.constant 16 : index
      %get3A_477 = tpu.vector_load %arg7[%get3A_474, %get3A_475, %get3A_476] {strides = array<i32>} : memref<4x64x128xf32, #tpu.memory_space<vmem>>, vector<1x1x16xf32>,
      %get3A_478 = vector.shape_cast %get3A_477 : vector<1x1x16xf32> to vector<16xf32>
      %sub3A_479 = arith.subf %get3A_472, %get3A_478 : vector<16xf32>
      %mul3A_480 = arith.mulf %sub3A_479, %sub3A_479 : vector<16xf32>
      %add3A_481 = arith.addf %scan3A_451, %mul3A_480 : vector<16xf32>
      %get3A_482 = arith.constant 3 : i32
      %get3A_483 = arith.index_cast %get3A_482 : i32 to index
      %get3A_484 = arith.index_cast %scan3A_449 : i32 to index
      %get3A_485 = arith.constant 32 : index
      %get3A_486 = tpu.vector_load %arg8[%get3A_483, %get3A_484, %get3A_485] {strides = array<i32>} : memref<4x64x128xf32, #tpu.memory_space<vmem>>, vector<1x1x16xf32>,
      %get3A_487 = vector.shape_cast %get3A_486 : vector<1x1x16xf32> to vector<16xf32>
      %get3A_488 = arith.constant 3 : i32
      %get3A_489 = arith.index_cast %get3A_488 : i32 to index
      %get3A_490 = arith.index_cast %scan3A_449 : i32 to index
      %get3A_491 = arith.constant 32 : index
      %get3A_492 = tpu.vector_load %arg7[%get3A_489, %get3A_490, %get3A_491] {strides = array<i32>} : memref<4x64x128xf32, #tpu.memory_space<vmem>>, vector<1x1x16xf32>,
      %get3A_493 = vector.shape_cast %get3A_492 : vector<1x1x16xf32> to vector<16xf32>
      %sub3A_494 = arith.subf %get3A_487, %get3A_493 : vector<16xf32>
      %mul3A_495 = arith.mulf %sub3A_494, %sub3A_494 : vector<16xf32>
      %add3A_496 = arith.addf %scan3A_452, %mul3A_495 : vector<16xf32>
      %get3A_497 = arith.constant 3 : i32
      %get3A_498 = arith.index_cast %get3A_497 : i32 to index
      %get3A_499 = arith.index_cast %scan3A_449 : i32 to index
      %get3A_500 = arith.constant 48 : index
      %get3A_501 = tpu.vector_load %arg8[%get3A_498, %get3A_499, %get3A_500] {strides = array<i32>} : memref<4x64x128xf32, #tpu.memory_space<vmem>>, vector<1x1x16xf32>,
      %get3A_502 = vector.shape_cast %get3A_501 : vector<1x1x16xf32> to vector<16xf32>
      %get3A_503 = arith.constant 3 : i32
      %get3A_504 = arith.index_cast %get3A_503 : i32 to index
      %get3A_505 = arith.index_cast %scan3A_449 : i32 to index
      %get3A_506 = arith.constant 48 : index
      %get3A_507 = tpu.vector_load %arg7[%get3A_504, %get3A_505, %get3A_506] {strides = array<i32>} : memref<4x64x128xf32, #tpu.memory_space<vmem>>, vector<1x1x16xf32>,
      %get3A_508 = vector.shape_cast %get3A_507 : vector<1x1x16xf32> to vector<16xf32>
      %sub3A_509 = arith.subf %get3A_502, %get3A_508 : vector<16xf32>
      %mul3A_510 = arith.mulf %sub3A_509, %sub3A_509 : vector<16xf32>
      %add3A_511 = arith.addf %scan3A_453, %mul3A_510 : vector<16xf32>
      %get3A_512 = arith.constant 3 : i32
      %get3A_513 = arith.index_cast %get3A_512 : i32 to index
      %get3A_514 = arith.index_cast %scan3A_449 : i32 to index
      %get3A_515 = arith.constant 64 : index
      %get3A_516 = tpu.vector_load %arg8[%get3A_513, %get3A_514, %get3A_515] {strides = array<i32>} : memref<4x64x128xf32, #tpu.memory_space<vmem>>, vector<1x1x16xf32>,
      %get3A_517 = vector.shape_cast %get3A_516 : vector<1x1x16xf32> to vector<16xf32>
      %get3A_518 = arith.constant 3 : i32
      %get3A_519 = arith.index_cast %get3A_518 : i32 to index
      %get3A_520 = arith.index_cast %scan3A_449 : i32 to index
      %get3A_521 = arith.constant 64 : index
      %get3A_522 = tpu.vector_load %arg7[%get3A_519, %get3A_520, %get3A_521] {strides = array<i32>} : memref<4x64x128xf32, #tpu.memory_space<vmem>>, vector<1x1x16xf32>,
      %get3A_523 = vector.shape_cast %get3A_522 : vector<1x1x16xf32> to vector<16xf32>
      %sub3A_524 = arith.subf %get3A_517, %get3A_523 : vector<16xf32>
      %mul3A_525 = arith.mulf %sub3A_524, %sub3A_524 : vector<16xf32>
      %add3A_526 = arith.addf %add3A_466, %mul3A_525 : vector<16xf32>
      %get3A_527 = arith.constant 3 : i32
      %get3A_528 = arith.index_cast %get3A_527 : i32 to index
      %get3A_529 = arith.index_cast %scan3A_449 : i32 to index
      %get3A_530 = arith.constant 80 : index
      %get3A_531 = tpu.vector_load %arg8[%get3A_528, %get3A_529, %get3A_530] {strides = array<i32>} : memref<4x64x128xf32, #tpu.memory_space<vmem>>, vector<1x1x16xf32>,
      %get3A_532 = vector.shape_cast %get3A_531 : vector<1x1x16xf32> to vector<16xf32>
      %get3A_533 = arith.constant 3 : i32
      %get3A_534 = arith.index_cast %get3A_533 : i32 to index
      %get3A_535 = arith.index_cast %scan3A_449 : i32 to index
      %get3A_536 = arith.constant 80 : index
      %get3A_537 = tpu.vector_load %arg7[%get3A_534, %get3A_535, %get3A_536] {strides = array<i32>} : memref<4x64x128xf32, #tpu.memory_space<vmem>>, vector<1x1x16xf32>,
      %get3A_538 = vector.shape_cast %get3A_537 : vector<1x1x16xf32> to vector<16xf32>
      %sub3A_539 = arith.subf %get3A_532, %get3A_538 : vector<16xf32>
      %mul3A_540 = arith.mulf %sub3A_539, %sub3A_539 : vector<16xf32>
      %add3A_541 = arith.addf %add3A_481, %mul3A_540 : vector<16xf32>
      %get3A_542 = arith.constant 3 : i32
      %get3A_543 = arith.index_cast %get3A_542 : i32 to index
      %get3A_544 = arith.index_cast %scan3A_449 : i32 to index
      %get3A_545 = arith.constant 96 : index
      %get3A_546 = tpu.vector_load %arg8[%get3A_543, %get3A_544, %get3A_545] {strides = array<i32>} : memref<4x64x128xf32, #tpu.memory_space<vmem>>, vector<1x1x16xf32>,
      %get3A_547 = vector.shape_cast %get3A_546 : vector<1x1x16xf32> to vector<16xf32>
      %get3A_548 = arith.constant 3 : i32
      %get3A_549 = arith.index_cast %get3A_548 : i32 to index
      %get3A_550 = arith.index_cast %scan3A_449 : i32 to index
      %get3A_551 = arith.constant 96 : index
      %get3A_552 = tpu.vector_load %arg7[%get3A_549, %get3A_550, %get3A_551] {strides = array<i32>} : memref<4x64x128xf32, #tpu.memory_space<vmem>>, vector<1x1x16xf32>,
      %get3A_553 = vector.shape_cast %get3A_552 : vector<1x1x16xf32> to vector<16xf32>
      %sub3A_554 = arith.subf %get3A_547, %get3A_553 : vector<16xf32>
      %mul3A_555 = arith.mulf %sub3A_554, %sub3A_554 : vector<16xf32>
      %add3A_556 = arith.addf %add3A_496, %mul3A_555 : vector<16xf32>
      %get3A_557 = arith.constant 3 : i32
      %get3A_558 = arith.index_cast %get3A_557 : i32 to index
      %get3A_559 = arith.index_cast %scan3A_449 : i32 to index
      %get3A_560 = arith.constant 112 : index
      %get3A_561 = tpu.vector_load %arg8[%get3A_558, %get3A_559, %get3A_560] {strides = array<i32>} : memref<4x64x128xf32, #tpu.memory_space<vmem>>, vector<1x1x16xf32>,
      %get3A_562 = vector.shape_cast %get3A_561 : vector<1x1x16xf32> to vector<16xf32>
      %get3A_563 = arith.constant 3 : i32
      %get3A_564 = arith.index_cast %get3A_563 : i32 to index
      %get3A_565 = arith.index_cast %scan3A_449 : i32 to index
      %get3A_566 = arith.constant 112 : index
      %get3A_567 = tpu.vector_load %arg7[%get3A_564, %get3A_565, %get3A_566] {strides = array<i32>} : memref<4x64x128xf32, #tpu.memory_space<vmem>>, vector<1x1x16xf32>,
      %get3A_568 = vector.shape_cast %get3A_567 : vector<1x1x16xf32> to vector<16xf32>
      %sub3A_569 = arith.subf %get3A_562, %get3A_568 : vector<16xf32>
      %mul3A_570 = arith.mulf %sub3A_569, %sub3A_569 : vector<16xf32>
      %add3A_571 = arith.addf %add3A_511, %mul3A_570 : vector<16xf32>
      scf.yield %add3A_526, %add3A_541, %add3A_556, %add3A_571 : vector<16xf32>, vector<16xf32>, vector<16xf32>, vector<16xf32>
    }
    %scan3A_301 = arith.constant 64 : i32
    %dma_wait3A_302 = arith.constant 0 : i32
    %dma_wait3A_303 = arith.constant 0 : i32
    %dma_wait3A_304 = arith.constant 0 : i32
    %dma_wait3A_305 = tpu.memref_slice %arg7[%dma_wait3A_302, %dma_wait3A_303, %dma_wait3A_304] : memref<4x64x128xf32, #tpu.memory_space<vmem>> -> memref<1x64x128xf32, #tpu.memory_space<vmem>>
    %dma_wait3A_306 = tpu.memref_squeeze %dma_wait3A_305 : memref<1x64x128xf32, #tpu.memory_space<vmem>> -> memref<64x128xf32, #tpu.memory_space<vmem>>
    %dma_wait3A_307 = arith.constant 256 : i32
    %dma_wait3A_308 = tpu.memref_slice %arg6[%dma_wait3A_307] : memref<512xi32, #tpu.memory_space<vmem>> -> memref<64xi32, #tpu.memory_space<vmem>>
    %dma_wait3A_309 = arith.constant 0 : i32
    %dma_wait3A_310 = arith.constant 0 : i32
    %dma_wait3A_311 = tpu.memref_slice %arg4[%dma_wait3A_309, %dma_wait3A_310] : memref<100000x128xf32, #tpu.memory_space<hbm>> -> memref<100000x128xf32, #tpu.memory_space<hbm>>
    tpu.wait_indirect_dma semaphore(%arg10 : memref<!tpu.dma_semaphore, #tpu.memory_space<semaphore_mem>>) src(%dma_wait3A_311 : memref<100000x128xf32, #tpu.memory_space<hbm>>) dst(%dma_wait3A_306 : memref<64x128xf32, #tpu.memory_space<vmem>>)
    %dma_wait3A_312 = arith.constant 0 : i32
    %dma_wait3A_313 = arith.constant 0 : i32
    %dma_wait3A_314 = arith.constant 0 : i32
    %dma_wait3A_315 = tpu.memref_slice %arg8[%dma_wait3A_312, %dma_wait3A_313, %dma_wait3A_314] : memref<4x64x128xf32, #tpu.memory_space<vmem>> -> memref<1x64x128xf32, #tpu.memory_space<vmem>>
    %dma_wait3A_316 = tpu.memref_squeeze %dma_wait3A_315 : memref<1x64x128xf32, #tpu.memory_space<vmem>> -> memref<64x128xf32, #tpu.memory_space<vmem>>
    %dma_wait3A_317 = arith.constant 0 : i32
    %dma_wait3A_318 = tpu.memref_slice %arg2[%add3A_174, %dma_wait3A_317] : memref<16384x128xf32, #tpu.memory_space<hbm>> -> memref<64x128xf32, #tpu.memory_space<hbm>>
    %dma_wait3A_319 = arith.constant 0 : i32
    %dma_wait3A_320 = arith.constant 0 : i32
    %dma_wait3A_321 = tpu.memref_slice %arg8[%dma_wait3A_312, %dma_wait3A_319, %dma_wait3A_320] : memref<4x64x128xf32, #tpu.memory_space<vmem>> -> memref<1x64x128xf32, #tpu.memory_space<vmem>>
    %dma_wait3A_322 = tpu.memref_squeeze %dma_wait3A_321 : memref<1x64x128xf32, #tpu.memory_space<vmem>> -> memref<64x128xf32, #tpu.memory_space<vmem>>
    %dma_wait3A_323 = arith.constant 0 : i32
    %dma_wait3A_324 = tpu.memref_slice %arg2[%add3A_174, %dma_wait3A_323] : memref<16384x128xf32, #tpu.memory_space<hbm>> -> memref<64x128xf32, #tpu.memory_space<hbm>>
    tpu.wait_dma2 semaphore(%arg14 : memref<!tpu.dma_semaphore, #tpu.memory_space<semaphore_mem>>) src(%dma_wait3A_324 : memref<64x128xf32, #tpu.memory_space<hbm>>) dst(%dma_wait3A_322 : memref<64x128xf32, #tpu.memory_space<vmem>>)
    %dma_start3A_325 = arith.constant 3 : i32
    %dma_start3A_326 = arith.constant 0 : i32
    %dma_start3A_327 = arith.constant 0 : i32
    %dma_start3A_328 = tpu.memref_slice %arg7[%dma_start3A_325, %dma_start3A_326, %dma_start3A_327] : memref<4x64x128xf32, #tpu.memory_space<vmem>> -> memref<1x64x128xf32, #tpu.memory_space<vmem>>
    %dma_start3A_329 = tpu.memref_squeeze %dma_start3A_328 : memref<1x64x128xf32, #tpu.memory_space<vmem>> -> memref<64x128xf32, #tpu.memory_space<vmem>>
    %dma_start3A_330 = arith.constant 448 : i32
    %dma_start3A_331 = tpu.memref_slice %arg6[%dma_start3A_330] : memref<512xi32, #tpu.memory_space<vmem>> -> memref<64xi32, #tpu.memory_space<vmem>>
    %dma_start3A_332 = arith.constant 0 : i32
    %dma_start3A_333 = arith.constant 0 : i32
    %dma_start3A_334 = tpu.memref_slice %arg4[%dma_start3A_332, %dma_start3A_333] : memref<100000x128xf32, #tpu.memory_space<hbm>> -> memref<100000x128xf32, #tpu.memory_space<hbm>>
    tpu.enqueue_indirect_dma source(%dma_start3A_334 : memref<100000x128xf32, #tpu.memory_space<hbm>>) target(%dma_start3A_329 : memref<64x128xf32, #tpu.memory_space<vmem>>) offsets(%dma_start3A_331 : memref<64xi32, #tpu.memory_space<vmem>>) semaphore(%arg13 : memref<!tpu.dma_semaphore, #tpu.memory_space<semaphore_mem>>)
    %add3A_335 = arith.constant 448 : i32
    %add3A_336 = arith.addi %mul3A_2, %add3A_335 : i32
    %dma_start3A_337 = arith.constant 3 : i32
    %dma_start3A_338 = arith.constant 0 : i32
    %dma_start3A_339 = arith.constant 0 : i32
    %dma_start3A_340 = tpu.memref_slice %arg8[%dma_start3A_337, %dma_start3A_338, %dma_start3A_339] : memref<4x64x128xf32, #tpu.memory_space<vmem>> -> memref<1x64x128xf32, #tpu.memory_space<vmem>>
    %dma_start3A_341 = tpu.memref_squeeze %dma_start3A_340 : memref<1x64x128xf32, #tpu.memory_space<vmem>> -> memref<64x128xf32, #tpu.memory_space<vmem>>
    %dma_start3A_342 = arith.constant 0 : i32
    %dma_start3A_343 = tpu.memref_slice %arg2[%add3A_336, %dma_start3A_342] : memref<16384x128xf32, #tpu.memory_space<hbm>> -> memref<64x128xf32, #tpu.memory_space<hbm>>
    %dma_start3A_344 = arith.constant 0 : i32
    %dma_start3A_345 = arith.constant 0 : i32
    %dma_start3A_346 = tpu.memref_slice %arg8[%dma_start3A_337, %dma_start3A_344, %dma_start3A_345] : memref<4x64x128xf32, #tpu.memory_space<vmem>> -> memref<1x64x128xf32, #tpu.memory_space<vmem>>
    %dma_start3A_347 = tpu.memref_squeeze %dma_start3A_346 : memref<1x64x128xf32, #tpu.memory_space<vmem>> -> memref<64x128xf32, #tpu.memory_space<vmem>>
    %dma_start3A_348 = arith.constant 0 : i32
    %dma_start3A_349 = tpu.memref_slice %arg2[%add3A_336, %dma_start3A_348] : memref<16384x128xf32, #tpu.memory_space<hbm>> -> memref<64x128xf32, #tpu.memory_space<hbm>>
    tpu.enqueue_dma source(%dma_start3A_349 : memref<64x128xf32, #tpu.memory_space<hbm>>) target(%dma_start3A_347 : memref<64x128xf32, #tpu.memory_space<vmem>>) target_semaphore(%arg17 : memref<!tpu.dma_semaphore, #tpu.memory_space<semaphore_mem>>)
    %scan3A_350 = arith.constant 0 : i32
    %scan3A_351 = arith.constant 64 : i32
    %scan3A_352 = arith.addi %scan3A_350, %scan3A_351 : i32
    %scan3A_353 = arith.constant 1 : i32
    %scan3A_354:4 = scf.for %scan3A_449 = %scan3A_350 to %scan3A_352 step %scan3A_353 iter_args(%scan3A_450 = %scan3A_300#0, %scan3A_451 = %scan3A_300#1, %scan3A_452 = %scan3A_300#2, %scan3A_453 = %scan3A_300#3) -> (vector<16xf32>, vector<16xf32>, vector<16xf32>, vector<16xf32>)  : i32 {
      %get3A = arith.constant 0 : i32
      %get3A_454 = arith.index_cast %get3A : i32 to index
      %get3A_455 = arith.index_cast %scan3A_449 : i32 to index
      %get3A_456 = arith.constant 0 : index
      %get3A_457 = tpu.vector_load %arg8[%get3A_454, %get3A_455, %get3A_456] {strides = array<i32>} : memref<4x64x128xf32, #tpu.memory_space<vmem>>, vector<1x1x16xf32>,
      %get3A_458 = vector.shape_cast %get3A_457 : vector<1x1x16xf32> to vector<16xf32>
      %get3A_459 = arith.constant 0 : i32
      %get3A_460 = arith.index_cast %get3A_459 : i32 to index
      %get3A_461 = arith.index_cast %scan3A_449 : i32 to index
      %get3A_462 = arith.constant 0 : index
      %get3A_463 = tpu.vector_load %arg7[%get3A_460, %get3A_461, %get3A_462] {strides = array<i32>} : memref<4x64x128xf32, #tpu.memory_space<vmem>>, vector<1x1x16xf32>,
      %get3A_464 = vector.shape_cast %get3A_463 : vector<1x1x16xf32> to vector<16xf32>
      %sub3A = arith.subf %get3A_458, %get3A_464 : vector<16xf32>
      %mul3A_465 = arith.mulf %sub3A, %sub3A : vector<16xf32>
      %add3A_466 = arith.addf %scan3A_450, %mul3A_465 : vector<16xf32>
      %get3A_467 = arith.constant 0 : i32
      %get3A_468 = arith.index_cast %get3A_467 : i32 to index
      %get3A_469 = arith.index_cast %scan3A_449 : i32 to index
      %get3A_470 = arith.constant 16 : index
      %get3A_471 = tpu.vector_load %arg8[%get3A_468, %get3A_469, %get3A_470] {strides = array<i32>} : memref<4x64x128xf32, #tpu.memory_space<vmem>>, vector<1x1x16xf32>,
      %get3A_472 = vector.shape_cast %get3A_471 : vector<1x1x16xf32> to vector<16xf32>
      %get3A_473 = arith.constant 0 : i32
      %get3A_474 = arith.index_cast %get3A_473 : i32 to index
      %get3A_475 = arith.index_cast %scan3A_449 : i32 to index
      %get3A_476 = arith.constant 16 : index
      %get3A_477 = tpu.vector_load %arg7[%get3A_474, %get3A_475, %get3A_476] {strides = array<i32>} : memref<4x64x128xf32, #tpu.memory_space<vmem>>, vector<1x1x16xf32>,
      %get3A_478 = vector.shape_cast %get3A_477 : vector<1x1x16xf32> to vector<16xf32>
      %sub3A_479 = arith.subf %get3A_472, %get3A_478 : vector<16xf32>
      %mul3A_480 = arith.mulf %sub3A_479, %sub3A_479 : vector<16xf32>
      %add3A_481 = arith.addf %scan3A_451, %mul3A_480 : vector<16xf32>
      %get3A_482 = arith.constant 0 : i32
      %get3A_483 = arith.index_cast %get3A_482 : i32 to index
      %get3A_484 = arith.index_cast %scan3A_449 : i32 to index
      %get3A_485 = arith.constant 32 : index
      %get3A_486 = tpu.vector_load %arg8[%get3A_483, %get3A_484, %get3A_485] {strides = array<i32>} : memref<4x64x128xf32, #tpu.memory_space<vmem>>, vector<1x1x16xf32>,
      %get3A_487 = vector.shape_cast %get3A_486 : vector<1x1x16xf32> to vector<16xf32>
      %get3A_488 = arith.constant 0 : i32
      %get3A_489 = arith.index_cast %get3A_488 : i32 to index
      %get3A_490 = arith.index_cast %scan3A_449 : i32 to index
      %get3A_491 = arith.constant 32 : index
      %get3A_492 = tpu.vector_load %arg7[%get3A_489, %get3A_490, %get3A_491] {strides = array<i32>} : memref<4x64x128xf32, #tpu.memory_space<vmem>>, vector<1x1x16xf32>,
      %get3A_493 = vector.shape_cast %get3A_492 : vector<1x1x16xf32> to vector<16xf32>
      %sub3A_494 = arith.subf %get3A_487, %get3A_493 : vector<16xf32>
      %mul3A_495 = arith.mulf %sub3A_494, %sub3A_494 : vector<16xf32>
      %add3A_496 = arith.addf %scan3A_452, %mul3A_495 : vector<16xf32>
      %get3A_497 = arith.constant 0 : i32
      %get3A_498 = arith.index_cast %get3A_497 : i32 to index
      %get3A_499 = arith.index_cast %scan3A_449 : i32 to index
      %get3A_500 = arith.constant 48 : index
      %get3A_501 = tpu.vector_load %arg8[%get3A_498, %get3A_499, %get3A_500] {strides = array<i32>} : memref<4x64x128xf32, #tpu.memory_space<vmem>>, vector<1x1x16xf32>,
      %get3A_502 = vector.shape_cast %get3A_501 : vector<1x1x16xf32> to vector<16xf32>
      %get3A_503 = arith.constant 0 : i32
      %get3A_504 = arith.index_cast %get3A_503 : i32 to index
      %get3A_505 = arith.index_cast %scan3A_449 : i32 to index
      %get3A_506 = arith.constant 48 : index
      %get3A_507 = tpu.vector_load %arg7[%get3A_504, %get3A_505, %get3A_506] {strides = array<i32>} : memref<4x64x128xf32, #tpu.memory_space<vmem>>, vector<1x1x16xf32>,
      %get3A_508 = vector.shape_cast %get3A_507 : vector<1x1x16xf32> to vector<16xf32>
      %sub3A_509 = arith.subf %get3A_502, %get3A_508 : vector<16xf32>
      %mul3A_510 = arith.mulf %sub3A_509, %sub3A_509 : vector<16xf32>
      %add3A_511 = arith.addf %scan3A_453, %mul3A_510 : vector<16xf32>
      %get3A_512 = arith.constant 0 : i32
      %get3A_513 = arith.index_cast %get3A_512 : i32 to index
      %get3A_514 = arith.index_cast %scan3A_449 : i32 to index
      %get3A_515 = arith.constant 64 : index
      %get3A_516 = tpu.vector_load %arg8[%get3A_513, %get3A_514, %get3A_515] {strides = array<i32>} : memref<4x64x128xf32, #tpu.memory_space<vmem>>, vector<1x1x16xf32>,
      %get3A_517 = vector.shape_cast %get3A_516 : vector<1x1x16xf32> to vector<16xf32>
      %get3A_518 = arith.constant 0 : i32
      %get3A_519 = arith.index_cast %get3A_518 : i32 to index
      %get3A_520 = arith.index_cast %scan3A_449 : i32 to index
      %get3A_521 = arith.constant 64 : index
      %get3A_522 = tpu.vector_load %arg7[%get3A_519, %get3A_520, %get3A_521] {strides = array<i32>} : memref<4x64x128xf32, #tpu.memory_space<vmem>>, vector<1x1x16xf32>,
      %get3A_523 = vector.shape_cast %get3A_522 : vector<1x1x16xf32> to vector<16xf32>
      %sub3A_524 = arith.subf %get3A_517, %get3A_523 : vector<16xf32>
      %mul3A_525 = arith.mulf %sub3A_524, %sub3A_524 : vector<16xf32>
      %add3A_526 = arith.addf %add3A_466, %mul3A_525 : vector<16xf32>
      %get3A_527 = arith.constant 0 : i32
      %get3A_528 = arith.index_cast %get3A_527 : i32 to index
      %get3A_529 = arith.index_cast %scan3A_449 : i32 to index
      %get3A_530 = arith.constant 80 : index
      %get3A_531 = tpu.vector_load %arg8[%get3A_528, %get3A_529, %get3A_530] {strides = array<i32>} : memref<4x64x128xf32, #tpu.memory_space<vmem>>, vector<1x1x16xf32>,
      %get3A_532 = vector.shape_cast %get3A_531 : vector<1x1x16xf32> to vector<16xf32>
      %get3A_533 = arith.constant 0 : i32
      %get3A_534 = arith.index_cast %get3A_533 : i32 to index
      %get3A_535 = arith.index_cast %scan3A_449 : i32 to index
      %get3A_536 = arith.constant 80 : index
      %get3A_537 = tpu.vector_load %arg7[%get3A_534, %get3A_535, %get3A_536] {strides = array<i32>} : memref<4x64x128xf32, #tpu.memory_space<vmem>>, vector<1x1x16xf32>,
      %get3A_538 = vector.shape_cast %get3A_537 : vector<1x1x16xf32> to vector<16xf32>
      %sub3A_539 = arith.subf %get3A_532, %get3A_538 : vector<16xf32>
      %mul3A_540 = arith.mulf %sub3A_539, %sub3A_539 : vector<16xf32>
      %add3A_541 = arith.addf %add3A_481, %mul3A_540 : vector<16xf32>
      %get3A_542 = arith.constant 0 : i32
      %get3A_543 = arith.index_cast %get3A_542 : i32 to index
      %get3A_544 = arith.index_cast %scan3A_449 : i32 to index
      %get3A_545 = arith.constant 96 : index
      %get3A_546 = tpu.vector_load %arg8[%get3A_543, %get3A_544, %get3A_545] {strides = array<i32>} : memref<4x64x128xf32, #tpu.memory_space<vmem>>, vector<1x1x16xf32>,
      %get3A_547 = vector.shape_cast %get3A_546 : vector<1x1x16xf32> to vector<16xf32>
      %get3A_548 = arith.constant 0 : i32
      %get3A_549 = arith.index_cast %get3A_548 : i32 to index
      %get3A_550 = arith.index_cast %scan3A_449 : i32 to index
      %get3A_551 = arith.constant 96 : index
      %get3A_552 = tpu.vector_load %arg7[%get3A_549, %get3A_550, %get3A_551] {strides = array<i32>} : memref<4x64x128xf32, #tpu.memory_space<vmem>>, vector<1x1x16xf32>,
      %get3A_553 = vector.shape_cast %get3A_552 : vector<1x1x16xf32> to vector<16xf32>
      %sub3A_554 = arith.subf %get3A_547, %get3A_553 : vector<16xf32>
      %mul3A_555 = arith.mulf %sub3A_554, %sub3A_554 : vector<16xf32>
      %add3A_556 = arith.addf %add3A_496, %mul3A_555 : vector<16xf32>
      %get3A_557 = arith.constant 0 : i32
      %get3A_558 = arith.index_cast %get3A_557 : i32 to index
      %get3A_559 = arith.index_cast %scan3A_449 : i32 to index
      %get3A_560 = arith.constant 112 : index
      %get3A_561 = tpu.vector_load %arg8[%get3A_558, %get3A_559, %get3A_560] {strides = array<i32>} : memref<4x64x128xf32, #tpu.memory_space<vmem>>, vector<1x1x16xf32>,
      %get3A_562 = vector.shape_cast %get3A_561 : vector<1x1x16xf32> to vector<16xf32>
      %get3A_563 = arith.constant 0 : i32
      %get3A_564 = arith.index_cast %get3A_563 : i32 to index
      %get3A_565 = arith.index_cast %scan3A_449 : i32 to index
      %get3A_566 = arith.constant 112 : index
      %get3A_567 = tpu.vector_load %arg7[%get3A_564, %get3A_565, %get3A_566] {strides = array<i32>} : memref<4x64x128xf32, #tpu.memory_space<vmem>>, vector<1x1x16xf32>,
      %get3A_568 = vector.shape_cast %get3A_567 : vector<1x1x16xf32> to vector<16xf32>
      %sub3A_569 = arith.subf %get3A_562, %get3A_568 : vector<16xf32>
      %mul3A_570 = arith.mulf %sub3A_569, %sub3A_569 : vector<16xf32>
      %add3A_571 = arith.addf %add3A_511, %mul3A_570 : vector<16xf32>
      scf.yield %add3A_526, %add3A_541, %add3A_556, %add3A_571 : vector<16xf32>, vector<16xf32>, vector<16xf32>, vector<16xf32>
    }
    %scan3A_355 = arith.constant 64 : i32
    %dma_wait3A_356 = arith.constant 1 : i32
    %dma_wait3A_357 = arith.constant 0 : i32
    %dma_wait3A_358 = arith.constant 0 : i32
    %dma_wait3A_359 = tpu.memref_slice %arg7[%dma_wait3A_356, %dma_wait3A_357, %dma_wait3A_358] : memref<4x64x128xf32, #tpu.memory_space<vmem>> -> memref<1x64x128xf32, #tpu.memory_space<vmem>>
    %dma_wait3A_360 = tpu.memref_squeeze %dma_wait3A_359 : memref<1x64x128xf32, #tpu.memory_space<vmem>> -> memref<64x128xf32, #tpu.memory_space<vmem>>
    %dma_wait3A_361 = arith.constant 320 : i32
    %dma_wait3A_362 = tpu.memref_slice %arg6[%dma_wait3A_361] : memref<512xi32, #tpu.memory_space<vmem>> -> memref<64xi32, #tpu.memory_space<vmem>>
    %dma_wait3A_363 = arith.constant 0 : i32
    %dma_wait3A_364 = arith.constant 0 : i32
    %dma_wait3A_365 = tpu.memref_slice %arg4[%dma_wait3A_363, %dma_wait3A_364] : memref<100000x128xf32, #tpu.memory_space<hbm>> -> memref<100000x128xf32, #tpu.memory_space<hbm>>
    tpu.wait_indirect_dma semaphore(%arg11 : memref<!tpu.dma_semaphore, #tpu.memory_space<semaphore_mem>>) src(%dma_wait3A_365 : memref<100000x128xf32, #tpu.memory_space<hbm>>) dst(%dma_wait3A_360 : memref<64x128xf32, #tpu.memory_space<vmem>>)
    %dma_wait3A_366 = arith.constant 1 : i32
    %dma_wait3A_367 = arith.constant 0 : i32
    %dma_wait3A_368 = arith.constant 0 : i32
    %dma_wait3A_369 = tpu.memref_slice %arg8[%dma_wait3A_366, %dma_wait3A_367, %dma_wait3A_368] : memref<4x64x128xf32, #tpu.memory_space<vmem>> -> memref<1x64x128xf32, #tpu.memory_space<vmem>>
    %dma_wait3A_370 = tpu.memref_squeeze %dma_wait3A_369 : memref<1x64x128xf32, #tpu.memory_space<vmem>> -> memref<64x128xf32, #tpu.memory_space<vmem>>
    %dma_wait3A_371 = arith.constant 0 : i32
    %dma_wait3A_372 = tpu.memref_slice %arg2[%add3A_228, %dma_wait3A_371] : memref<16384x128xf32, #tpu.memory_space<hbm>> -> memref<64x128xf32, #tpu.memory_space<hbm>>
    %dma_wait3A_373 = arith.constant 0 : i32
    %dma_wait3A_374 = arith.constant 0 : i32
    %dma_wait3A_375 = tpu.memref_slice %arg8[%dma_wait3A_366, %dma_wait3A_373, %dma_wait3A_374] : memref<4x64x128xf32, #tpu.memory_space<vmem>> -> memref<1x64x128xf32, #tpu.memory_space<vmem>>
    %dma_wait3A_376 = tpu.memref_squeeze %dma_wait3A_375 : memref<1x64x128xf32, #tpu.memory_space<vmem>> -> memref<64x128xf32, #tpu.memory_space<vmem>>
    %dma_wait3A_377 = arith.constant 0 : i32
    %dma_wait3A_378 = tpu.memref_slice %arg2[%add3A_228, %dma_wait3A_377] : memref<16384x128xf32, #tpu.memory_space<hbm>> -> memref<64x128xf32, #tpu.memory_space<hbm>>
    tpu.wait_dma2 semaphore(%arg15 : memref<!tpu.dma_semaphore, #tpu.memory_space<semaphore_mem>>) src(%dma_wait3A_378 : memref<64x128xf32, #tpu.memory_space<hbm>>) dst(%dma_wait3A_376 : memref<64x128xf32, #tpu.memory_space<vmem>>)
    %scan3A_379 = arith.constant 0 : i32
    %scan3A_380 = arith.constant 64 : i32
    %scan3A_381 = arith.addi %scan3A_379, %scan3A_380 : i32
    %scan3A_382 = arith.constant 1 : i32
    %scan3A_383:4 = scf.for %scan3A_449 = %scan3A_379 to %scan3A_381 step %scan3A_382 iter_args(%scan3A_450 = %scan3A_354#0, %scan3A_451 = %scan3A_354#1, %scan3A_452 = %scan3A_354#2, %scan3A_453 = %scan3A_354#3) -> (vector<16xf32>, vector<16xf32>, vector<16xf32>, vector<16xf32>)  : i32 {
      %get3A = arith.constant 1 : i32
      %get3A_454 = arith.index_cast %get3A : i32 to index
      %get3A_455 = arith.index_cast %scan3A_449 : i32 to index
      %get3A_456 = arith.constant 0 : index
      %get3A_457 = tpu.vector_load %arg8[%get3A_454, %get3A_455, %get3A_456] {strides = array<i32>} : memref<4x64x128xf32, #tpu.memory_space<vmem>>, vector<1x1x16xf32>,
      %get3A_458 = vector.shape_cast %get3A_457 : vector<1x1x16xf32> to vector<16xf32>
      %get3A_459 = arith.constant 1 : i32
      %get3A_460 = arith.index_cast %get3A_459 : i32 to index
      %get3A_461 = arith.index_cast %scan3A_449 : i32 to index
      %get3A_462 = arith.constant 0 : index
      %get3A_463 = tpu.vector_load %arg7[%get3A_460, %get3A_461, %get3A_462] {strides = array<i32>} : memref<4x64x128xf32, #tpu.memory_space<vmem>>, vector<1x1x16xf32>,
      %get3A_464 = vector.shape_cast %get3A_463 : vector<1x1x16xf32> to vector<16xf32>
      %sub3A = arith.subf %get3A_458, %get3A_464 : vector<16xf32>
      %mul3A_465 = arith.mulf %sub3A, %sub3A : vector<16xf32>
      %add3A_466 = arith.addf %scan3A_450, %mul3A_465 : vector<16xf32>
      %get3A_467 = arith.constant 1 : i32
      %get3A_468 = arith.index_cast %get3A_467 : i32 to index
      %get3A_469 = arith.index_cast %scan3A_449 : i32 to index
      %get3A_470 = arith.constant 16 : index
      %get3A_471 = tpu.vector_load %arg8[%get3A_468, %get3A_469, %get3A_470] {strides = array<i32>} : memref<4x64x128xf32, #tpu.memory_space<vmem>>, vector<1x1x16xf32>,
      %get3A_472 = vector.shape_cast %get3A_471 : vector<1x1x16xf32> to vector<16xf32>
      %get3A_473 = arith.constant 1 : i32
      %get3A_474 = arith.index_cast %get3A_473 : i32 to index
      %get3A_475 = arith.index_cast %scan3A_449 : i32 to index
      %get3A_476 = arith.constant 16 : index
      %get3A_477 = tpu.vector_load %arg7[%get3A_474, %get3A_475, %get3A_476] {strides = array<i32>} : memref<4x64x128xf32, #tpu.memory_space<vmem>>, vector<1x1x16xf32>,
      %get3A_478 = vector.shape_cast %get3A_477 : vector<1x1x16xf32> to vector<16xf32>
      %sub3A_479 = arith.subf %get3A_472, %get3A_478 : vector<16xf32>
      %mul3A_480 = arith.mulf %sub3A_479, %sub3A_479 : vector<16xf32>
      %add3A_481 = arith.addf %scan3A_451, %mul3A_480 : vector<16xf32>
      %get3A_482 = arith.constant 1 : i32
      %get3A_483 = arith.index_cast %get3A_482 : i32 to index
      %get3A_484 = arith.index_cast %scan3A_449 : i32 to index
      %get3A_485 = arith.constant 32 : index
      %get3A_486 = tpu.vector_load %arg8[%get3A_483, %get3A_484, %get3A_485] {strides = array<i32>} : memref<4x64x128xf32, #tpu.memory_space<vmem>>, vector<1x1x16xf32>,
      %get3A_487 = vector.shape_cast %get3A_486 : vector<1x1x16xf32> to vector<16xf32>
      %get3A_488 = arith.constant 1 : i32
      %get3A_489 = arith.index_cast %get3A_488 : i32 to index
      %get3A_490 = arith.index_cast %scan3A_449 : i32 to index
      %get3A_491 = arith.constant 32 : index
      %get3A_492 = tpu.vector_load %arg7[%get3A_489, %get3A_490, %get3A_491] {strides = array<i32>} : memref<4x64x128xf32, #tpu.memory_space<vmem>>, vector<1x1x16xf32>,
      %get3A_493 = vector.shape_cast %get3A_492 : vector<1x1x16xf32> to vector<16xf32>
      %sub3A_494 = arith.subf %get3A_487, %get3A_493 : vector<16xf32>
      %mul3A_495 = arith.mulf %sub3A_494, %sub3A_494 : vector<16xf32>
      %add3A_496 = arith.addf %scan3A_452, %mul3A_495 : vector<16xf32>
      %get3A_497 = arith.constant 1 : i32
      %get3A_498 = arith.index_cast %get3A_497 : i32 to index
      %get3A_499 = arith.index_cast %scan3A_449 : i32 to index
      %get3A_500 = arith.constant 48 : index
      %get3A_501 = tpu.vector_load %arg8[%get3A_498, %get3A_499, %get3A_500] {strides = array<i32>} : memref<4x64x128xf32, #tpu.memory_space<vmem>>, vector<1x1x16xf32>,
      %get3A_502 = vector.shape_cast %get3A_501 : vector<1x1x16xf32> to vector<16xf32>
      %get3A_503 = arith.constant 1 : i32
      %get3A_504 = arith.index_cast %get3A_503 : i32 to index
      %get3A_505 = arith.index_cast %scan3A_449 : i32 to index
      %get3A_506 = arith.constant 48 : index
      %get3A_507 = tpu.vector_load %arg7[%get3A_504, %get3A_505, %get3A_506] {strides = array<i32>} : memref<4x64x128xf32, #tpu.memory_space<vmem>>, vector<1x1x16xf32>,
      %get3A_508 = vector.shape_cast %get3A_507 : vector<1x1x16xf32> to vector<16xf32>
      %sub3A_509 = arith.subf %get3A_502, %get3A_508 : vector<16xf32>
      %mul3A_510 = arith.mulf %sub3A_509, %sub3A_509 : vector<16xf32>
      %add3A_511 = arith.addf %scan3A_453, %mul3A_510 : vector<16xf32>
      %get3A_512 = arith.constant 1 : i32
      %get3A_513 = arith.index_cast %get3A_512 : i32 to index
      %get3A_514 = arith.index_cast %scan3A_449 : i32 to index
      %get3A_515 = arith.constant 64 : index
      %get3A_516 = tpu.vector_load %arg8[%get3A_513, %get3A_514, %get3A_515] {strides = array<i32>} : memref<4x64x128xf32, #tpu.memory_space<vmem>>, vector<1x1x16xf32>,
      %get3A_517 = vector.shape_cast %get3A_516 : vector<1x1x16xf32> to vector<16xf32>
      %get3A_518 = arith.constant 1 : i32
      %get3A_519 = arith.index_cast %get3A_518 : i32 to index
      %get3A_520 = arith.index_cast %scan3A_449 : i32 to index
      %get3A_521 = arith.constant 64 : index
      %get3A_522 = tpu.vector_load %arg7[%get3A_519, %get3A_520, %get3A_521] {strides = array<i32>} : memref<4x64x128xf32, #tpu.memory_space<vmem>>, vector<1x1x16xf32>,
      %get3A_523 = vector.shape_cast %get3A_522 : vector<1x1x16xf32> to vector<16xf32>
      %sub3A_524 = arith.subf %get3A_517, %get3A_523 : vector<16xf32>
      %mul3A_525 = arith.mulf %sub3A_524, %sub3A_524 : vector<16xf32>
      %add3A_526 = arith.addf %add3A_466, %mul3A_525 : vector<16xf32>
      %get3A_527 = arith.constant 1 : i32
      %get3A_528 = arith.index_cast %get3A_527 : i32 to index
      %get3A_529 = arith.index_cast %scan3A_449 : i32 to index
      %get3A_530 = arith.constant 80 : index
      %get3A_531 = tpu.vector_load %arg8[%get3A_528, %get3A_529, %get3A_530] {strides = array<i32>} : memref<4x64x128xf32, #tpu.memory_space<vmem>>, vector<1x1x16xf32>,
      %get3A_532 = vector.shape_cast %get3A_531 : vector<1x1x16xf32> to vector<16xf32>
      %get3A_533 = arith.constant 1 : i32
      %get3A_534 = arith.index_cast %get3A_533 : i32 to index
      %get3A_535 = arith.index_cast %scan3A_449 : i32 to index
      %get3A_536 = arith.constant 80 : index
      %get3A_537 = tpu.vector_load %arg7[%get3A_534, %get3A_535, %get3A_536] {strides = array<i32>} : memref<4x64x128xf32, #tpu.memory_space<vmem>>, vector<1x1x16xf32>,
      %get3A_538 = vector.shape_cast %get3A_537 : vector<1x1x16xf32> to vector<16xf32>
      %sub3A_539 = arith.subf %get3A_532, %get3A_538 : vector<16xf32>
      %mul3A_540 = arith.mulf %sub3A_539, %sub3A_539 : vector<16xf32>
      %add3A_541 = arith.addf %add3A_481, %mul3A_540 : vector<16xf32>
      %get3A_542 = arith.constant 1 : i32
      %get3A_543 = arith.index_cast %get3A_542 : i32 to index
      %get3A_544 = arith.index_cast %scan3A_449 : i32 to index
      %get3A_545 = arith.constant 96 : index
      %get3A_546 = tpu.vector_load %arg8[%get3A_543, %get3A_544, %get3A_545] {strides = array<i32>} : memref<4x64x128xf32, #tpu.memory_space<vmem>>, vector<1x1x16xf32>,
      %get3A_547 = vector.shape_cast %get3A_546 : vector<1x1x16xf32> to vector<16xf32>
      %get3A_548 = arith.constant 1 : i32
      %get3A_549 = arith.index_cast %get3A_548 : i32 to index
      %get3A_550 = arith.index_cast %scan3A_449 : i32 to index
      %get3A_551 = arith.constant 96 : index
      %get3A_552 = tpu.vector_load %arg7[%get3A_549, %get3A_550, %get3A_551] {strides = array<i32>} : memref<4x64x128xf32, #tpu.memory_space<vmem>>, vector<1x1x16xf32>,
      %get3A_553 = vector.shape_cast %get3A_552 : vector<1x1x16xf32> to vector<16xf32>
      %sub3A_554 = arith.subf %get3A_547, %get3A_553 : vector<16xf32>
      %mul3A_555 = arith.mulf %sub3A_554, %sub3A_554 : vector<16xf32>
      %add3A_556 = arith.addf %add3A_496, %mul3A_555 : vector<16xf32>
      %get3A_557 = arith.constant 1 : i32
      %get3A_558 = arith.index_cast %get3A_557 : i32 to index
      %get3A_559 = arith.index_cast %scan3A_449 : i32 to index
      %get3A_560 = arith.constant 112 : index
      %get3A_561 = tpu.vector_load %arg8[%get3A_558, %get3A_559, %get3A_560] {strides = array<i32>} : memref<4x64x128xf32, #tpu.memory_space<vmem>>, vector<1x1x16xf32>,
      %get3A_562 = vector.shape_cast %get3A_561 : vector<1x1x16xf32> to vector<16xf32>
      %get3A_563 = arith.constant 1 : i32
      %get3A_564 = arith.index_cast %get3A_563 : i32 to index
      %get3A_565 = arith.index_cast %scan3A_449 : i32 to index
      %get3A_566 = arith.constant 112 : index
      %get3A_567 = tpu.vector_load %arg7[%get3A_564, %get3A_565, %get3A_566] {strides = array<i32>} : memref<4x64x128xf32, #tpu.memory_space<vmem>>, vector<1x1x16xf32>,
      %get3A_568 = vector.shape_cast %get3A_567 : vector<1x1x16xf32> to vector<16xf32>
      %sub3A_569 = arith.subf %get3A_562, %get3A_568 : vector<16xf32>
      %mul3A_570 = arith.mulf %sub3A_569, %sub3A_569 : vector<16xf32>
      %add3A_571 = arith.addf %add3A_511, %mul3A_570 : vector<16xf32>
      scf.yield %add3A_526, %add3A_541, %add3A_556, %add3A_571 : vector<16xf32>, vector<16xf32>, vector<16xf32>, vector<16xf32>
    }
    %scan3A_384 = arith.constant 64 : i32
    %dma_wait3A_385 = arith.constant 2 : i32
    %dma_wait3A_386 = arith.constant 0 : i32
    %dma_wait3A_387 = arith.constant 0 : i32
    %dma_wait3A_388 = tpu.memref_slice %arg7[%dma_wait3A_385, %dma_wait3A_386, %dma_wait3A_387] : memref<4x64x128xf32, #tpu.memory_space<vmem>> -> memref<1x64x128xf32, #tpu.memory_space<vmem>>
    %dma_wait3A_389 = tpu.memref_squeeze %dma_wait3A_388 : memref<1x64x128xf32, #tpu.memory_space<vmem>> -> memref<64x128xf32, #tpu.memory_space<vmem>>
    %dma_wait3A_390 = arith.constant 384 : i32
    %dma_wait3A_391 = tpu.memref_slice %arg6[%dma_wait3A_390] : memref<512xi32, #tpu.memory_space<vmem>> -> memref<64xi32, #tpu.memory_space<vmem>>
    %dma_wait3A_392 = arith.constant 0 : i32
    %dma_wait3A_393 = arith.constant 0 : i32
    %dma_wait3A_394 = tpu.memref_slice %arg4[%dma_wait3A_392, %dma_wait3A_393] : memref<100000x128xf32, #tpu.memory_space<hbm>> -> memref<100000x128xf32, #tpu.memory_space<hbm>>
    tpu.wait_indirect_dma semaphore(%arg12 : memref<!tpu.dma_semaphore, #tpu.memory_space<semaphore_mem>>) src(%dma_wait3A_394 : memref<100000x128xf32, #tpu.memory_space<hbm>>) dst(%dma_wait3A_389 : memref<64x128xf32, #tpu.memory_space<vmem>>)
    %dma_wait3A_395 = arith.constant 2 : i32
    %dma_wait3A_396 = arith.constant 0 : i32
    %dma_wait3A_397 = arith.constant 0 : i32
    %dma_wait3A_398 = tpu.memref_slice %arg8[%dma_wait3A_395, %dma_wait3A_396, %dma_wait3A_397] : memref<4x64x128xf32, #tpu.memory_space<vmem>> -> memref<1x64x128xf32, #tpu.memory_space<vmem>>
    %dma_wait3A_399 = tpu.memref_squeeze %dma_wait3A_398 : memref<1x64x128xf32, #tpu.memory_space<vmem>> -> memref<64x128xf32, #tpu.memory_space<vmem>>
    %dma_wait3A_400 = arith.constant 0 : i32
    %dma_wait3A_401 = tpu.memref_slice %arg2[%add3A_282, %dma_wait3A_400] : memref<16384x128xf32, #tpu.memory_space<hbm>> -> memref<64x128xf32, #tpu.memory_space<hbm>>
    %dma_wait3A_402 = arith.constant 0 : i32
    %dma_wait3A_403 = arith.constant 0 : i32
    %dma_wait3A_404 = tpu.memref_slice %arg8[%dma_wait3A_395, %dma_wait3A_402, %dma_wait3A_403] : memref<4x64x128xf32, #tpu.memory_space<vmem>> -> memref<1x64x128xf32, #tpu.memory_space<vmem>>
    %dma_wait3A_405 = tpu.memref_squeeze %dma_wait3A_404 : memref<1x64x128xf32, #tpu.memory_space<vmem>> -> memref<64x128xf32, #tpu.memory_space<vmem>>
    %dma_wait3A_406 = arith.constant 0 : i32
    %dma_wait3A_407 = tpu.memref_slice %arg2[%add3A_282, %dma_wait3A_406] : memref<16384x128xf32, #tpu.memory_space<hbm>> -> memref<64x128xf32, #tpu.memory_space<hbm>>
    tpu.wait_dma2 semaphore(%arg16 : memref<!tpu.dma_semaphore, #tpu.memory_space<semaphore_mem>>) src(%dma_wait3A_407 : memref<64x128xf32, #tpu.memory_space<hbm>>) dst(%dma_wait3A_405 : memref<64x128xf32, #tpu.memory_space<vmem>>)
    %scan3A_408 = arith.constant 0 : i32
    %scan3A_409 = arith.constant 64 : i32
    %scan3A_410 = arith.addi %scan3A_408, %scan3A_409 : i32
    %scan3A_411 = arith.constant 1 : i32
    %scan3A_412:4 = scf.for %scan3A_449 = %scan3A_408 to %scan3A_410 step %scan3A_411 iter_args(%scan3A_450 = %scan3A_383#0, %scan3A_451 = %scan3A_383#1, %scan3A_452 = %scan3A_383#2, %scan3A_453 = %scan3A_383#3) -> (vector<16xf32>, vector<16xf32>, vector<16xf32>, vector<16xf32>)  : i32 {
      %get3A = arith.constant 2 : i32
      %get3A_454 = arith.index_cast %get3A : i32 to index
      %get3A_455 = arith.index_cast %scan3A_449 : i32 to index
      %get3A_456 = arith.constant 0 : index
      %get3A_457 = tpu.vector_load %arg8[%get3A_454, %get3A_455, %get3A_456] {strides = array<i32>} : memref<4x64x128xf32, #tpu.memory_space<vmem>>, vector<1x1x16xf32>,
      %get3A_458 = vector.shape_cast %get3A_457 : vector<1x1x16xf32> to vector<16xf32>
      %get3A_459 = arith.constant 2 : i32
      %get3A_460 = arith.index_cast %get3A_459 : i32 to index
      %get3A_461 = arith.index_cast %scan3A_449 : i32 to index
      %get3A_462 = arith.constant 0 : index
      %get3A_463 = tpu.vector_load %arg7[%get3A_460, %get3A_461, %get3A_462] {strides = array<i32>} : memref<4x64x128xf32, #tpu.memory_space<vmem>>, vector<1x1x16xf32>,
      %get3A_464 = vector.shape_cast %get3A_463 : vector<1x1x16xf32> to vector<16xf32>
      %sub3A = arith.subf %get3A_458, %get3A_464 : vector<16xf32>
      %mul3A_465 = arith.mulf %sub3A, %sub3A : vector<16xf32>
      %add3A_466 = arith.addf %scan3A_450, %mul3A_465 : vector<16xf32>
      %get3A_467 = arith.constant 2 : i32
      %get3A_468 = arith.index_cast %get3A_467 : i32 to index
      %get3A_469 = arith.index_cast %scan3A_449 : i32 to index
      %get3A_470 = arith.constant 16 : index
      %get3A_471 = tpu.vector_load %arg8[%get3A_468, %get3A_469, %get3A_470] {strides = array<i32>} : memref<4x64x128xf32, #tpu.memory_space<vmem>>, vector<1x1x16xf32>,
      %get3A_472 = vector.shape_cast %get3A_471 : vector<1x1x16xf32> to vector<16xf32>
      %get3A_473 = arith.constant 2 : i32
      %get3A_474 = arith.index_cast %get3A_473 : i32 to index
      %get3A_475 = arith.index_cast %scan3A_449 : i32 to index
      %get3A_476 = arith.constant 16 : index
      %get3A_477 = tpu.vector_load %arg7[%get3A_474, %get3A_475, %get3A_476] {strides = array<i32>} : memref<4x64x128xf32, #tpu.memory_space<vmem>>, vector<1x1x16xf32>,
      %get3A_478 = vector.shape_cast %get3A_477 : vector<1x1x16xf32> to vector<16xf32>
      %sub3A_479 = arith.subf %get3A_472, %get3A_478 : vector<16xf32>
      %mul3A_480 = arith.mulf %sub3A_479, %sub3A_479 : vector<16xf32>
      %add3A_481 = arith.addf %scan3A_451, %mul3A_480 : vector<16xf32>
      %get3A_482 = arith.constant 2 : i32
      %get3A_483 = arith.index_cast %get3A_482 : i32 to index
      %get3A_484 = arith.index_cast %scan3A_449 : i32 to index
      %get3A_485 = arith.constant 32 : index
      %get3A_486 = tpu.vector_load %arg8[%get3A_483, %get3A_484, %get3A_485] {strides = array<i32>} : memref<4x64x128xf32, #tpu.memory_space<vmem>>, vector<1x1x16xf32>,
      %get3A_487 = vector.shape_cast %get3A_486 : vector<1x1x16xf32> to vector<16xf32>
      %get3A_488 = arith.constant 2 : i32
      %get3A_489 = arith.index_cast %get3A_488 : i32 to index
      %get3A_490 = arith.index_cast %scan3A_449 : i32 to index
      %get3A_491 = arith.constant 32 : index
      %get3A_492 = tpu.vector_load %arg7[%get3A_489, %get3A_490, %get3A_491] {strides = array<i32>} : memref<4x64x128xf32, #tpu.memory_space<vmem>>, vector<1x1x16xf32>,
      %get3A_493 = vector.shape_cast %get3A_492 : vector<1x1x16xf32> to vector<16xf32>
      %sub3A_494 = arith.subf %get3A_487, %get3A_493 : vector<16xf32>
      %mul3A_495 = arith.mulf %sub3A_494, %sub3A_494 : vector<16xf32>
      %add3A_496 = arith.addf %scan3A_452, %mul3A_495 : vector<16xf32>
      %get3A_497 = arith.constant 2 : i32
      %get3A_498 = arith.index_cast %get3A_497 : i32 to index
      %get3A_499 = arith.index_cast %scan3A_449 : i32 to index
      %get3A_500 = arith.constant 48 : index
      %get3A_501 = tpu.vector_load %arg8[%get3A_498, %get3A_499, %get3A_500] {strides = array<i32>} : memref<4x64x128xf32, #tpu.memory_space<vmem>>, vector<1x1x16xf32>,
      %get3A_502 = vector.shape_cast %get3A_501 : vector<1x1x16xf32> to vector<16xf32>
      %get3A_503 = arith.constant 2 : i32
      %get3A_504 = arith.index_cast %get3A_503 : i32 to index
      %get3A_505 = arith.index_cast %scan3A_449 : i32 to index
      %get3A_506 = arith.constant 48 : index
      %get3A_507 = tpu.vector_load %arg7[%get3A_504, %get3A_505, %get3A_506] {strides = array<i32>} : memref<4x64x128xf32, #tpu.memory_space<vmem>>, vector<1x1x16xf32>,
      %get3A_508 = vector.shape_cast %get3A_507 : vector<1x1x16xf32> to vector<16xf32>
      %sub3A_509 = arith.subf %get3A_502, %get3A_508 : vector<16xf32>
      %mul3A_510 = arith.mulf %sub3A_509, %sub3A_509 : vector<16xf32>
      %add3A_511 = arith.addf %scan3A_453, %mul3A_510 : vector<16xf32>
      %get3A_512 = arith.constant 2 : i32
      %get3A_513 = arith.index_cast %get3A_512 : i32 to index
      %get3A_514 = arith.index_cast %scan3A_449 : i32 to index
      %get3A_515 = arith.constant 64 : index
      %get3A_516 = tpu.vector_load %arg8[%get3A_513, %get3A_514, %get3A_515] {strides = array<i32>} : memref<4x64x128xf32, #tpu.memory_space<vmem>>, vector<1x1x16xf32>,
      %get3A_517 = vector.shape_cast %get3A_516 : vector<1x1x16xf32> to vector<16xf32>
      %get3A_518 = arith.constant 2 : i32
      %get3A_519 = arith.index_cast %get3A_518 : i32 to index
      %get3A_520 = arith.index_cast %scan3A_449 : i32 to index
      %get3A_521 = arith.constant 64 : index
      %get3A_522 = tpu.vector_load %arg7[%get3A_519, %get3A_520, %get3A_521] {strides = array<i32>} : memref<4x64x128xf32, #tpu.memory_space<vmem>>, vector<1x1x16xf32>,
      %get3A_523 = vector.shape_cast %get3A_522 : vector<1x1x16xf32> to vector<16xf32>
      %sub3A_524 = arith.subf %get3A_517, %get3A_523 : vector<16xf32>
      %mul3A_525 = arith.mulf %sub3A_524, %sub3A_524 : vector<16xf32>
      %add3A_526 = arith.addf %add3A_466, %mul3A_525 : vector<16xf32>
      %get3A_527 = arith.constant 2 : i32
      %get3A_528 = arith.index_cast %get3A_527 : i32 to index
      %get3A_529 = arith.index_cast %scan3A_449 : i32 to index
      %get3A_530 = arith.constant 80 : index
      %get3A_531 = tpu.vector_load %arg8[%get3A_528, %get3A_529, %get3A_530] {strides = array<i32>} : memref<4x64x128xf32, #tpu.memory_space<vmem>>, vector<1x1x16xf32>,
      %get3A_532 = vector.shape_cast %get3A_531 : vector<1x1x16xf32> to vector<16xf32>
      %get3A_533 = arith.constant 2 : i32
      %get3A_534 = arith.index_cast %get3A_533 : i32 to index
      %get3A_535 = arith.index_cast %scan3A_449 : i32 to index
      %get3A_536 = arith.constant 80 : index
      %get3A_537 = tpu.vector_load %arg7[%get3A_534, %get3A_535, %get3A_536] {strides = array<i32>} : memref<4x64x128xf32, #tpu.memory_space<vmem>>, vector<1x1x16xf32>,
      %get3A_538 = vector.shape_cast %get3A_537 : vector<1x1x16xf32> to vector<16xf32>
      %sub3A_539 = arith.subf %get3A_532, %get3A_538 : vector<16xf32>
      %mul3A_540 = arith.mulf %sub3A_539, %sub3A_539 : vector<16xf32>
      %add3A_541 = arith.addf %add3A_481, %mul3A_540 : vector<16xf32>
      %get3A_542 = arith.constant 2 : i32
      %get3A_543 = arith.index_cast %get3A_542 : i32 to index
      %get3A_544 = arith.index_cast %scan3A_449 : i32 to index
      %get3A_545 = arith.constant 96 : index
      %get3A_546 = tpu.vector_load %arg8[%get3A_543, %get3A_544, %get3A_545] {strides = array<i32>} : memref<4x64x128xf32, #tpu.memory_space<vmem>>, vector<1x1x16xf32>,
      %get3A_547 = vector.shape_cast %get3A_546 : vector<1x1x16xf32> to vector<16xf32>
      %get3A_548 = arith.constant 2 : i32
      %get3A_549 = arith.index_cast %get3A_548 : i32 to index
      %get3A_550 = arith.index_cast %scan3A_449 : i32 to index
      %get3A_551 = arith.constant 96 : index
      %get3A_552 = tpu.vector_load %arg7[%get3A_549, %get3A_550, %get3A_551] {strides = array<i32>} : memref<4x64x128xf32, #tpu.memory_space<vmem>>, vector<1x1x16xf32>,
      %get3A_553 = vector.shape_cast %get3A_552 : vector<1x1x16xf32> to vector<16xf32>
      %sub3A_554 = arith.subf %get3A_547, %get3A_553 : vector<16xf32>
      %mul3A_555 = arith.mulf %sub3A_554, %sub3A_554 : vector<16xf32>
      %add3A_556 = arith.addf %add3A_496, %mul3A_555 : vector<16xf32>
      %get3A_557 = arith.constant 2 : i32
      %get3A_558 = arith.index_cast %get3A_557 : i32 to index
      %get3A_559 = arith.index_cast %scan3A_449 : i32 to index
      %get3A_560 = arith.constant 112 : index
      %get3A_561 = tpu.vector_load %arg8[%get3A_558, %get3A_559, %get3A_560] {strides = array<i32>} : memref<4x64x128xf32, #tpu.memory_space<vmem>>, vector<1x1x16xf32>,
      %get3A_562 = vector.shape_cast %get3A_561 : vector<1x1x16xf32> to vector<16xf32>
      %get3A_563 = arith.constant 2 : i32
      %get3A_564 = arith.index_cast %get3A_563 : i32 to index
      %get3A_565 = arith.index_cast %scan3A_449 : i32 to index
      %get3A_566 = arith.constant 112 : index
      %get3A_567 = tpu.vector_load %arg7[%get3A_564, %get3A_565, %get3A_566] {strides = array<i32>} : memref<4x64x128xf32, #tpu.memory_space<vmem>>, vector<1x1x16xf32>,
      %get3A_568 = vector.shape_cast %get3A_567 : vector<1x1x16xf32> to vector<16xf32>
      %sub3A_569 = arith.subf %get3A_562, %get3A_568 : vector<16xf32>
      %mul3A_570 = arith.mulf %sub3A_569, %sub3A_569 : vector<16xf32>
      %add3A_571 = arith.addf %add3A_511, %mul3A_570 : vector<16xf32>
      scf.yield %add3A_526, %add3A_541, %add3A_556, %add3A_571 : vector<16xf32>, vector<16xf32>, vector<16xf32>, vector<16xf32>
    }
    %scan3A_413 = arith.constant 64 : i32
    %dma_wait3A_414 = arith.constant 3 : i32
    %dma_wait3A_415 = arith.constant 0 : i32
    %dma_wait3A_416 = arith.constant 0 : i32
    %dma_wait3A_417 = tpu.memref_slice %arg7[%dma_wait3A_414, %dma_wait3A_415, %dma_wait3A_416] : memref<4x64x128xf32, #tpu.memory_space<vmem>> -> memref<1x64x128xf32, #tpu.memory_space<vmem>>
    %dma_wait3A_418 = tpu.memref_squeeze %dma_wait3A_417 : memref<1x64x128xf32, #tpu.memory_space<vmem>> -> memref<64x128xf32, #tpu.memory_space<vmem>>
    %dma_wait3A_419 = arith.constant 448 : i32
    %dma_wait3A_420 = tpu.memref_slice %arg6[%dma_wait3A_419] : memref<512xi32, #tpu.memory_space<vmem>> -> memref<64xi32, #tpu.memory_space<vmem>>
    %dma_wait3A_421 = arith.constant 0 : i32
    %dma_wait3A_422 = arith.constant 0 : i32
    %dma_wait3A_423 = tpu.memref_slice %arg4[%dma_wait3A_421, %dma_wait3A_422] : memref<100000x128xf32, #tpu.memory_space<hbm>> -> memref<100000x128xf32, #tpu.memory_space<hbm>>
    tpu.wait_indirect_dma semaphore(%arg13 : memref<!tpu.dma_semaphore, #tpu.memory_space<semaphore_mem>>) src(%dma_wait3A_423 : memref<100000x128xf32, #tpu.memory_space<hbm>>) dst(%dma_wait3A_418 : memref<64x128xf32, #tpu.memory_space<vmem>>)
    %dma_wait3A_424 = arith.constant 3 : i32
    %dma_wait3A_425 = arith.constant 0 : i32
    %dma_wait3A_426 = arith.constant 0 : i32
    %dma_wait3A_427 = tpu.memref_slice %arg8[%dma_wait3A_424, %dma_wait3A_425, %dma_wait3A_426] : memref<4x64x128xf32, #tpu.memory_space<vmem>> -> memref<1x64x128xf32, #tpu.memory_space<vmem>>
    %dma_wait3A_428 = tpu.memref_squeeze %dma_wait3A_427 : memref<1x64x128xf32, #tpu.memory_space<vmem>> -> memref<64x128xf32, #tpu.memory_space<vmem>>
    %dma_wait3A_429 = arith.constant 0 : i32
    %dma_wait3A_430 = tpu.memref_slice %arg2[%add3A_336, %dma_wait3A_429] : memref<16384x128xf32, #tpu.memory_space<hbm>> -> memref<64x128xf32, #tpu.memory_space<hbm>>
    %dma_wait3A_431 = arith.constant 0 : i32
    %dma_wait3A_432 = arith.constant 0 : i32
    %dma_wait3A_433 = tpu.memref_slice %arg8[%dma_wait3A_424, %dma_wait3A_431, %dma_wait3A_432] : memref<4x64x128xf32, #tpu.memory_space<vmem>> -> memref<1x64x128xf32, #tpu.memory_space<vmem>>
    %dma_wait3A_434 = tpu.memref_squeeze %dma_wait3A_433 : memref<1x64x128xf32, #tpu.memory_space<vmem>> -> memref<64x128xf32, #tpu.memory_space<vmem>>
    %dma_wait3A_435 = arith.constant 0 : i32
    %dma_wait3A_436 = tpu.memref_slice %arg2[%add3A_336, %dma_wait3A_435] : memref<16384x128xf32, #tpu.memory_space<hbm>> -> memref<64x128xf32, #tpu.memory_space<hbm>>
    tpu.wait_dma2 semaphore(%arg17 : memref<!tpu.dma_semaphore, #tpu.memory_space<semaphore_mem>>) src(%dma_wait3A_436 : memref<64x128xf32, #tpu.memory_space<hbm>>) dst(%dma_wait3A_434 : memref<64x128xf32, #tpu.memory_space<vmem>>)
    %scan3A_437 = arith.constant 0 : i32
    %scan3A_438 = arith.constant 64 : i32
    %scan3A_439 = arith.addi %scan3A_437, %scan3A_438 : i32
    %scan3A_440 = arith.constant 1 : i32
    %scan3A_441:4 = scf.for %scan3A_449 = %scan3A_437 to %scan3A_439 step %scan3A_440 iter_args(%scan3A_450 = %scan3A_412#0, %scan3A_451 = %scan3A_412#1, %scan3A_452 = %scan3A_412#2, %scan3A_453 = %scan3A_412#3) -> (vector<16xf32>, vector<16xf32>, vector<16xf32>, vector<16xf32>)  : i32 {
      %get3A = arith.constant 3 : i32
      %get3A_454 = arith.index_cast %get3A : i32 to index
      %get3A_455 = arith.index_cast %scan3A_449 : i32 to index
      %get3A_456 = arith.constant 0 : index
      %get3A_457 = tpu.vector_load %arg8[%get3A_454, %get3A_455, %get3A_456] {strides = array<i32>} : memref<4x64x128xf32, #tpu.memory_space<vmem>>, vector<1x1x16xf32>,
      %get3A_458 = vector.shape_cast %get3A_457 : vector<1x1x16xf32> to vector<16xf32>
      %get3A_459 = arith.constant 3 : i32
      %get3A_460 = arith.index_cast %get3A_459 : i32 to index
      %get3A_461 = arith.index_cast %scan3A_449 : i32 to index
      %get3A_462 = arith.constant 0 : index
      %get3A_463 = tpu.vector_load %arg7[%get3A_460, %get3A_461, %get3A_462] {strides = array<i32>} : memref<4x64x128xf32, #tpu.memory_space<vmem>>, vector<1x1x16xf32>,
      %get3A_464 = vector.shape_cast %get3A_463 : vector<1x1x16xf32> to vector<16xf32>
      %sub3A = arith.subf %get3A_458, %get3A_464 : vector<16xf32>
      %mul3A_465 = arith.mulf %sub3A, %sub3A : vector<16xf32>
      %add3A_466 = arith.addf %scan3A_450, %mul3A_465 : vector<16xf32>
      %get3A_467 = arith.constant 3 : i32
      %get3A_468 = arith.index_cast %get3A_467 : i32 to index
      %get3A_469 = arith.index_cast %scan3A_449 : i32 to index
      %get3A_470 = arith.constant 16 : index
      %get3A_471 = tpu.vector_load %arg8[%get3A_468, %get3A_469, %get3A_470] {strides = array<i32>} : memref<4x64x128xf32, #tpu.memory_space<vmem>>, vector<1x1x16xf32>,
      %get3A_472 = vector.shape_cast %get3A_471 : vector<1x1x16xf32> to vector<16xf32>
      %get3A_473 = arith.constant 3 : i32
      %get3A_474 = arith.index_cast %get3A_473 : i32 to index
      %get3A_475 = arith.index_cast %scan3A_449 : i32 to index
      %get3A_476 = arith.constant 16 : index
      %get3A_477 = tpu.vector_load %arg7[%get3A_474, %get3A_475, %get3A_476] {strides = array<i32>} : memref<4x64x128xf32, #tpu.memory_space<vmem>>, vector<1x1x16xf32>,
      %get3A_478 = vector.shape_cast %get3A_477 : vector<1x1x16xf32> to vector<16xf32>
      %sub3A_479 = arith.subf %get3A_472, %get3A_478 : vector<16xf32>
      %mul3A_480 = arith.mulf %sub3A_479, %sub3A_479 : vector<16xf32>
      %add3A_481 = arith.addf %scan3A_451, %mul3A_480 : vector<16xf32>
      %get3A_482 = arith.constant 3 : i32
      %get3A_483 = arith.index_cast %get3A_482 : i32 to index
      %get3A_484 = arith.index_cast %scan3A_449 : i32 to index
      %get3A_485 = arith.constant 32 : index
      %get3A_486 = tpu.vector_load %arg8[%get3A_483, %get3A_484, %get3A_485] {strides = array<i32>} : memref<4x64x128xf32, #tpu.memory_space<vmem>>, vector<1x1x16xf32>,
      %get3A_487 = vector.shape_cast %get3A_486 : vector<1x1x16xf32> to vector<16xf32>
      %get3A_488 = arith.constant 3 : i32
      %get3A_489 = arith.index_cast %get3A_488 : i32 to index
      %get3A_490 = arith.index_cast %scan3A_449 : i32 to index
      %get3A_491 = arith.constant 32 : index
      %get3A_492 = tpu.vector_load %arg7[%get3A_489, %get3A_490, %get3A_491] {strides = array<i32>} : memref<4x64x128xf32, #tpu.memory_space<vmem>>, vector<1x1x16xf32>,
      %get3A_493 = vector.shape_cast %get3A_492 : vector<1x1x16xf32> to vector<16xf32>
      %sub3A_494 = arith.subf %get3A_487, %get3A_493 : vector<16xf32>
      %mul3A_495 = arith.mulf %sub3A_494, %sub3A_494 : vector<16xf32>
      %add3A_496 = arith.addf %scan3A_452, %mul3A_495 : vector<16xf32>
      %get3A_497 = arith.constant 3 : i32
      %get3A_498 = arith.index_cast %get3A_497 : i32 to index
      %get3A_499 = arith.index_cast %scan3A_449 : i32 to index
      %get3A_500 = arith.constant 48 : index
      %get3A_501 = tpu.vector_load %arg8[%get3A_498, %get3A_499, %get3A_500] {strides = array<i32>} : memref<4x64x128xf32, #tpu.memory_space<vmem>>, vector<1x1x16xf32>,
      %get3A_502 = vector.shape_cast %get3A_501 : vector<1x1x16xf32> to vector<16xf32>
      %get3A_503 = arith.constant 3 : i32
      %get3A_504 = arith.index_cast %get3A_503 : i32 to index
      %get3A_505 = arith.index_cast %scan3A_449 : i32 to index
      %get3A_506 = arith.constant 48 : index
      %get3A_507 = tpu.vector_load %arg7[%get3A_504, %get3A_505, %get3A_506] {strides = array<i32>} : memref<4x64x128xf32, #tpu.memory_space<vmem>>, vector<1x1x16xf32>,
      %get3A_508 = vector.shape_cast %get3A_507 : vector<1x1x16xf32> to vector<16xf32>
      %sub3A_509 = arith.subf %get3A_502, %get3A_508 : vector<16xf32>
      %mul3A_510 = arith.mulf %sub3A_509, %sub3A_509 : vector<16xf32>
      %add3A_511 = arith.addf %scan3A_453, %mul3A_510 : vector<16xf32>
      %get3A_512 = arith.constant 3 : i32
      %get3A_513 = arith.index_cast %get3A_512 : i32 to index
      %get3A_514 = arith.index_cast %scan3A_449 : i32 to index
      %get3A_515 = arith.constant 64 : index
      %get3A_516 = tpu.vector_load %arg8[%get3A_513, %get3A_514, %get3A_515] {strides = array<i32>} : memref<4x64x128xf32, #tpu.memory_space<vmem>>, vector<1x1x16xf32>,
      %get3A_517 = vector.shape_cast %get3A_516 : vector<1x1x16xf32> to vector<16xf32>
      %get3A_518 = arith.constant 3 : i32
      %get3A_519 = arith.index_cast %get3A_518 : i32 to index
      %get3A_520 = arith.index_cast %scan3A_449 : i32 to index
      %get3A_521 = arith.constant 64 : index
      %get3A_522 = tpu.vector_load %arg7[%get3A_519, %get3A_520, %get3A_521] {strides = array<i32>} : memref<4x64x128xf32, #tpu.memory_space<vmem>>, vector<1x1x16xf32>,
      %get3A_523 = vector.shape_cast %get3A_522 : vector<1x1x16xf32> to vector<16xf32>
      %sub3A_524 = arith.subf %get3A_517, %get3A_523 : vector<16xf32>
      %mul3A_525 = arith.mulf %sub3A_524, %sub3A_524 : vector<16xf32>
      %add3A_526 = arith.addf %add3A_466, %mul3A_525 : vector<16xf32>
      %get3A_527 = arith.constant 3 : i32
      %get3A_528 = arith.index_cast %get3A_527 : i32 to index
      %get3A_529 = arith.index_cast %scan3A_449 : i32 to index
      %get3A_530 = arith.constant 80 : index
      %get3A_531 = tpu.vector_load %arg8[%get3A_528, %get3A_529, %get3A_530] {strides = array<i32>} : memref<4x64x128xf32, #tpu.memory_space<vmem>>, vector<1x1x16xf32>,
      %get3A_532 = vector.shape_cast %get3A_531 : vector<1x1x16xf32> to vector<16xf32>
      %get3A_533 = arith.constant 3 : i32
      %get3A_534 = arith.index_cast %get3A_533 : i32 to index
      %get3A_535 = arith.index_cast %scan3A_449 : i32 to index
      %get3A_536 = arith.constant 80 : index
      %get3A_537 = tpu.vector_load %arg7[%get3A_534, %get3A_535, %get3A_536] {strides = array<i32>} : memref<4x64x128xf32, #tpu.memory_space<vmem>>, vector<1x1x16xf32>,
      %get3A_538 = vector.shape_cast %get3A_537 : vector<1x1x16xf32> to vector<16xf32>
      %sub3A_539 = arith.subf %get3A_532, %get3A_538 : vector<16xf32>
      %mul3A_540 = arith.mulf %sub3A_539, %sub3A_539 : vector<16xf32>
      %add3A_541 = arith.addf %add3A_481, %mul3A_540 : vector<16xf32>
      %get3A_542 = arith.constant 3 : i32
      %get3A_543 = arith.index_cast %get3A_542 : i32 to index
      %get3A_544 = arith.index_cast %scan3A_449 : i32 to index
      %get3A_545 = arith.constant 96 : index
      %get3A_546 = tpu.vector_load %arg8[%get3A_543, %get3A_544, %get3A_545] {strides = array<i32>} : memref<4x64x128xf32, #tpu.memory_space<vmem>>, vector<1x1x16xf32>,
      %get3A_547 = vector.shape_cast %get3A_546 : vector<1x1x16xf32> to vector<16xf32>
      %get3A_548 = arith.constant 3 : i32
      %get3A_549 = arith.index_cast %get3A_548 : i32 to index
      %get3A_550 = arith.index_cast %scan3A_449 : i32 to index
      %get3A_551 = arith.constant 96 : index
      %get3A_552 = tpu.vector_load %arg7[%get3A_549, %get3A_550, %get3A_551] {strides = array<i32>} : memref<4x64x128xf32, #tpu.memory_space<vmem>>, vector<1x1x16xf32>,
      %get3A_553 = vector.shape_cast %get3A_552 : vector<1x1x16xf32> to vector<16xf32>
      %sub3A_554 = arith.subf %get3A_547, %get3A_553 : vector<16xf32>
      %mul3A_555 = arith.mulf %sub3A_554, %sub3A_554 : vector<16xf32>
      %add3A_556 = arith.addf %add3A_496, %mul3A_555 : vector<16xf32>
      %get3A_557 = arith.constant 3 : i32
      %get3A_558 = arith.index_cast %get3A_557 : i32 to index
      %get3A_559 = arith.index_cast %scan3A_449 : i32 to index
      %get3A_560 = arith.constant 112 : index
      %get3A_561 = tpu.vector_load %arg8[%get3A_558, %get3A_559, %get3A_560] {strides = array<i32>} : memref<4x64x128xf32, #tpu.memory_space<vmem>>, vector<1x1x16xf32>,
      %get3A_562 = vector.shape_cast %get3A_561 : vector<1x1x16xf32> to vector<16xf32>
      %get3A_563 = arith.constant 3 : i32
      %get3A_564 = arith.index_cast %get3A_563 : i32 to index
      %get3A_565 = arith.index_cast %scan3A_449 : i32 to index
      %get3A_566 = arith.constant 112 : index
      %get3A_567 = tpu.vector_load %arg7[%get3A_564, %get3A_565, %get3A_566] {strides = array<i32>} : memref<4x64x128xf32, #tpu.memory_space<vmem>>, vector<1x1x16xf32>,
      %get3A_568 = vector.shape_cast %get3A_567 : vector<1x1x16xf32> to vector<16xf32>
      %sub3A_569 = arith.subf %get3A_562, %get3A_568 : vector<16xf32>
      %mul3A_570 = arith.mulf %sub3A_569, %sub3A_569 : vector<16xf32>
      %add3A_571 = arith.addf %add3A_511, %mul3A_570 : vector<16xf32>
      scf.yield %add3A_526, %add3A_541, %add3A_556, %add3A_571 : vector<16xf32>, vector<16xf32>, vector<16xf32>, vector<16xf32>
    }
    %scan3A_442 = arith.constant 64 : i32
    %add3A_443 = arith.addf %scan3A_441#0, %scan3A_441#1 : vector<16xf32>
    %add3A_444 = arith.addf %add3A_443, %scan3A_441#2 : vector<16xf32>
    %add3A_445 = arith.addf %add3A_444, %scan3A_441#3 : vector<16xf32>
    %swap3A = arith.constant 0 : index
    %swap3A_446 = tpu.vector_load %arg9[%swap3A] {strides = array<i32>} : memref<16xf32, #tpu.memory_space<vmem>>, vector<16xf32>,
    %swap3A_447 = vector.shape_cast %swap3A_446 : vector<16xf32> to vector<16xf32>
    %swap3A_448 = vector.shape_cast %add3A_445 : vector<16xf32> to vector<16xf32>
    tpu.vector_store %arg9[%swap3A], %swap3A_448 {strides = array<i32>} : memref<16xf32, #tpu.memory_space<vmem>>, vector<16xf32>,
    "tpu.region"() ({
      %run_scoped3A = tpu.sem_alloc : memref<!tpu.dma_semaphore, #tpu.memory_space<semaphore_mem>>
      %dma_start3A_449 = arith.constant 0 : i32
      %dma_start3A_450 = tpu.memref_slice %arg5[%add3A, %dma_start3A_449] : memref<32x16xf32, #tpu.memory_space<hbm>> -> memref<1x16xf32, #tpu.memory_space<hbm>>
      %dma_start3A_451 = tpu.memref_squeeze %dma_start3A_450 : memref<1x16xf32, #tpu.memory_space<hbm>> -> memref<16xf32, #tpu.memory_space<hbm>>
      %dma_start3A_452 = arith.constant 0 : i32
      %dma_start3A_453 = tpu.memref_slice %arg5[%add3A, %dma_start3A_452] : memref<32x16xf32, #tpu.memory_space<hbm>> -> memref<1x16xf32, #tpu.memory_space<hbm>>
      %dma_start3A_454 = tpu.memref_squeeze %dma_start3A_453 : memref<1x16xf32, #tpu.memory_space<hbm>> -> memref<16xf32, #tpu.memory_space<hbm>>
      tpu.enqueue_dma source(%arg9 : memref<16xf32, #tpu.memory_space<vmem>>) target(%dma_start3A_454 : memref<16xf32, #tpu.memory_space<hbm>>) target_semaphore(%run_scoped3A : memref<!tpu.dma_semaphore, #tpu.memory_space<semaphore_mem>>)
      %dma_wait3A_455 = arith.constant 0 : i32
      %dma_wait3A_456 = tpu.memref_slice %arg5[%add3A, %dma_wait3A_455] : memref<32x16xf32, #tpu.memory_space<hbm>> -> memref<1x16xf32, #tpu.memory_space<hbm>>
      %dma_wait3A_457 = tpu.memref_squeeze %dma_wait3A_456 : memref<1x16xf32, #tpu.memory_space<hbm>> -> memref<16xf32, #tpu.memory_space<hbm>>
      %dma_wait3A_458 = arith.constant 0 : i32
      %dma_wait3A_459 = tpu.memref_slice %arg5[%add3A, %dma_wait3A_458] : memref<32x16xf32, #tpu.memory_space<hbm>> -> memref<1x16xf32, #tpu.memory_space<hbm>>
      %dma_wait3A_460 = tpu.memref_squeeze %dma_wait3A_459 : memref<1x16xf32, #tpu.memory_space<hbm>> -> memref<16xf32, #tpu.memory_space<hbm>>
      tpu.wait_dma2 semaphore(%run_scoped3A : memref<!tpu.dma_semaphore, #tpu.memory_space<semaphore_mem>>) src(%arg9 : memref<16xf32, #tpu.memory_space<vmem>>) dst(%dma_wait3A_460 : memref<16xf32, #tpu.memory_space<hbm>>)
      tpu.yield
    }) : () -> ()
    return
  }
}

</mosaic_0001>

<sc_bundles>
// kernel: kernel.3.cloned.1.call-start
scs
__scs_entry_jumppad:
0x0: {  	(pc) =	sbr.rel $0x88, $3  }
0x1: {  	(tag) =	ssettag $0x0;
	lr =	simm.s32 $0x1  }
0x2: {  	[smem:$0x3F9E] =	sst lr;
	_ =	strace $0xD0000000  }
0x3: {  	_ = 	snop  }
0x4: {  	_ = 	snop  }
0x5: {  	_ = 	snop  }
0x6: {  	_ = 	snop  }
0x7: {  	_ = 	snop  }
__scs_overlays_trampoline_lowered:
0x8: {  	[smem:$0x3FAD] =	sst s0  }
0x9: {  	[smem:$0x3FAE] =	sst s1  }
0xa: {  	[smem:$0x3FAF] =	sst s2  }
0xb: {  	[smem:$0x3FB0] =	sst s3  }
0xc: {  	[smem:$0x3FB1] =	sst s4  }
0xd: {  	[smem:$0x3FB2] =	sst s5  }
0xe: {  	[smem:$0x3FB3] =	sst s6  }
0xf: {  	[smem:$0x3FB4] =	sst s7  }
0x10: {  	[smem:$0x3FB5] =	sst s8  }
0x11: {  	[smem:$0x3FB6] =	sst s9;
	s0 =	simm.s32 @!p0 $0x0  }
0x12: {  	s1 =	sld [smem:$0x3F9C];
	s0 =	simm.s32 @p0 $0x1  }
0x13: {  	[smem:$0x3FB7] =	sst s0;
	s0 =	simm.s32 @!p1 $0x0  }
0x14: {  	s2 =	sld [smem:$0x3F9B];
	s0 =	simm.s32 @p1 $0x1  }
0x15: {  	[smem:$0x3FB8] =	sst s0;
	s0 =	simm.s32 @!p2 $0x0  }
0x16: {  	s3 =	sld [smem:$0x3FDB];
	s0 =	simm.s32 @p2 $0x1  }
0x17: {  	s4 =	simm.s32 $0x1BF5;
	[smem:$0x3FBA] =	sst s0  }
0x18: {  	s0 =	sld [smem:$0x3F9D];
	_ =	swait.ge [sflag:s4], $0x0  }
0x19: {  	s7 =	sld [smem:$0x3F9E]  }
0x1a: {  	s8 =	sadd.s32 $0xFFFFE003, lr  }
0x1b: {  	s9 =	sadd.s32 $0xFFFFFEF7, lr;
	s5 =	simm.s32 $0xFFFFFFFF;
	p2 =	slt.u32 s8, $0xFFFFF086  }
0x1c: {  	p1 =	slt.u32 s9, $0xF7A;
	s5 =	simm.s32 @!p2 $0x0  }
0x1d: {  	s5 =	simm.s32 @p1 $0x1;
	p0 =	seq.s32 s7, s2  }
0x1e: {  	s7 =	smul.u32 @!p0 $0xF7A, s2;
	p2 =	seq.s32 @!p0 s5, $0x0  }
0x1f: {  	s9 =	smul.u32 $0xF7A, s1;
	s8 =	simm.s32 @!p0 $0x1BF5;
	p2 =	por !p2, p0  }
0x20: {  	[sflag:s8] =	ssyncset.s32 @!p0 $0xFFFFF086;
	s6 =	sadd.s32 @!p0 s3, s7;
	s7 =	simm.s32 @!p0 $0x108  }
0x21: {  	s3 =	sadd.s32 s3, s9;
	s6 =	sadd.s32 @!p0 $0x88, s6;
	s7 =	simm.s32 @p2 $0x1082  }
0x22: {  	[simem:s7], [sflag:s8] =	dma.local @!p0 [hbm:s6], $0xF7A  }
0x23: {  	s9 =	sor.u32 $0xD0000000, s2;
	s6 =	simm.s32 $0x108;
	_ =	swait.ge @!p0 [sflag:s8], $0x0  }
0x24: {  	s3 =	sadd.s32 $0x88, s3;
	s6 =	simm.s32 @!p1 $0x1082;
	[sflag:s4] =	ssyncset.s32 $0xFFFFF086  }
0x25: {  	[simem:s6], [sflag:s4] =	dma.local [hbm:s3], $0xF7A  }
0x26: {  	[smem:$0x3F9E] =	sst s1;
	(tag) =	ssettag s2;
	_ =	strace s9  }
0x27: {  	s1 =	sld [smem:$0x3FAE]  }
0x28: {  	s2 =	sld [smem:$0x3FAF]  }
0x29: {  	s4 =	sld [smem:$0x3FB1]  }
0x2a: {  	p0 =	seq.s32 s5, $0x0;
	s5 =	sld [smem:$0x3FB2]  }
0x2b: {  	s6 =	sld [smem:$0x3FB3]  }
0x2c: {  	s7 =	sld [smem:$0x3FB4]  }
0x2d: {  	s3 =	simm.s32 $0x108;
	s8 =	sld [smem:$0x3FB5]  }
0x2e: {  	s3 =	simm.s32 @!p0 $0x1082;
	s9 =	sld [smem:$0x3FB6]  }
0x2f: {  	lr =	sadd.s32 s0, s3;
	s0 =	sld [smem:$0x3FAD]  }
0x30: {  	s3 =	sld [smem:$0x3FB0]  }
0x31: {  	[smem:$0x3FB9] =	sst s10  }
0x32: {  	s10 =	sld [smem:$0x3FB7];
	_ =	sdelay $0x3  }
0x33: {  	p0 =	seq.s32 s10, $0x1;
	s10 =	sld [smem:$0x3FB9];
	_ =	sdelay $0x3  }
0x34: {  	[smem:$0x3FB9] =	sst s10  }
0x35: {  	s10 =	sld [smem:$0x3FB8];
	_ =	sdelay $0x3  }
0x36: {  	p1 =	seq.s32 s10, $0x1;
	s10 =	sld [smem:$0x3FB9];
	_ =	sdelay $0x3  }
0x37: {  	[smem:$0x3FB9] =	sst s10  }
0x38: {  	s10 =	sld [smem:$0x3FBA]  }
0x39: {  	_ = 	snop;
	(pc) =	sbr.ind lr, $3  }
0x3a: {  	_ = 	snop  }
0x3b: {  	_ = 	snop  }
0x3c: {  	p2 =	seq.s32 s10, $0x1;
	s10 =	sld [smem:$0x3FB9]  }
0x3d: {  	_ =	shalt  }
0x3e: {  	_ =	shalt  }
0x3f: {  	_ =	shalt  }
0x40: {  	_ =	shalt  }
0x41: {  	_ =	shalt  }
0x42: {  	_ =	shalt  }
0x43: {  	_ =	shalt  }
0x44: {  	_ =	shalt  }
0x45: {  	_ =	shalt  }
0x46: {  	_ =	shalt  }
0x47: {  	_ =	shalt  }
0x48: {  	_ =	shalt  }
0x49: {  	_ =	shalt  }
0x4a: {  	_ =	shalt  }
0x4b: {  	_ =	shalt  }
0x4c: {  	_ =	shalt  }
0x4d: {  	_ =	shalt  }
0x4e: {  	_ =	shalt  }
0x4f: {  	_ =	shalt  }
0x50: {  	_ =	shalt  }
0x51: {  	_ =	shalt  }
0x52: {  	_ =	shalt  }
0x53: {  	_ =	shalt  }
0x54: {  	_ =	shalt  }
0x55: {  	_ =	shalt  }
0x56: {  	_ =	shalt  }
0x57: {  	_ =	shalt  }
0x58: {  	_ =	shalt  }
0x59: {  	_ =	shalt  }
0x5a: {  	_ =	shalt  }
0x5b: {  	_ =	shalt  }
0x5c: {  	_ =	shalt  }
0x5d: {  	_ =	shalt  }
0x5e: {  	_ =	shalt  }
0x5f: {  	_ =	shalt  }
0x60: {  	_ =	shalt  }
0x61: {  	_ =	shalt  }
0x62: {  	_ =	shalt  }
0x63: {  	_ =	shalt  }
0x64: {  	_ =	shalt  }
0x65: {  	_ =	shalt  }
0x66: {  	_ =	shalt  }
0x67: {  	_ =	shalt  }
0x68: {  	_ =	shalt  }
0x69: {  	_ =	shalt  }
0x6a: {  	_ =	shalt  }
0x6b: {  	_ =	shalt  }
0x6c: {  	_ =	shalt  }
0x6d: {  	_ =	shalt  }
0x6e: {  	_ =	shalt  }
0x6f: {  	_ =	shalt  }
0x70: {  	_ =	shalt  }
0x71: {  	_ =	shalt  }
0x72: {  	_ =	shalt  }
0x73: {  	_ =	shalt  }
0x74: {  	_ =	shalt  }
0x75: {  	_ =	shalt  }
0x76: {  	_ =	shalt  }
0x77: {  	_ =	shalt  }
0x78: {  	_ =	shalt  }
0x79: {  	_ =	shalt  }
0x7a: {  	_ =	shalt  }
0x7b: {  	_ =	shalt  }
0x7c: {  	_ =	shalt  }
0x7d: {  	_ =	shalt  }
0x7e: {  	_ =	shalt  }
0x7f: {  	_ =	shalt  }
0x80: {  	_ =	shalt  }
0x81: {  	_ =	shalt  }
0x82: {  	_ =	shalt  }
0x83: {  	_ =	shalt  }
0x84: {  	_ =	shalt  }
0x85: {  	_ =	shalt  }
0x86: {  	_ =	shalt  }
0x87: {  	_ =	shalt  }
.Lfunc_end0:
.L_simem_size_0:
called_computation_lowered:
.L_overlay_start_0:
0x88: {  	s2 =	sld [smem:$0x3FD9]  }
0x89: {  	s3 =	sld [smem:$0x3FFE];
	_ =	sdelay $0x1  }
0x8a: {  	s1 =	srdreg.scid  }
0x8b: {  	s0 =	sand.u32 $0x1, s1  }
0x8c: {  	s17 =	sshll.u32 s0, $0xA;
	s2 =	sadd.s32 s3, s2  }
0x8d: {  	s2 =	sadd.s32 s2, s17  }
0x8e: {  	[smem:$0x3FC5] =	sst s2  }
0x8f: {  	_ = 	snop  }
0x90: {  	s2 =	sld [smem:$0x3FC9]  }
0x91: {  	s18 =	sld [smem:$0x3FC8]  }
0x92: {  	s4 =	sld [smem:$0x3FC7];
	(tm) =	ssettm $0x1  }
0x93: {  	s5 =	sld [smem:$0x3FFB];
	_ =	sdelay $0x3  }
0x94: {  	_ =	strace s5  }
0x95: {  	s5 =	sld [smem:$0x3FFC];
	_ =	sdelay $0x3  }
0x96: {  	_ =	strace s5  }
0x97: {  	s5 =	sld [smem:$0x3FFD];
	_ =	sdelay $0x3  }
0x98: {  	_ =	strace s5  }
0x99: {  	_ =	strace $0x8FFFFFFF  }
0x9a: {  	s19 =	sld [smem:$0x3FDB];
	_ =	sdelay $0x1  }
0x9b: {  	s6 =	simm.s32 $_scs_section_size  }
0x9c: {  	s7 =	simm.s32 $_size__tile_overlayer_lowered;
	s8 =	simm.s32 $_tile_overlayer_lowered  }
0x9d: {  	s22 =	simm.s32 $0x1BFF;
	s21 =	sshll.u32 s8, $0x1;
	s5 =	sadd.s32 s6, s19  }
0x9e: {  	s9 =	simm.s32 $0x0;
	s20 =	sshll.u32 s7, $0x1;
	s7 =	sadd.s32 s21, s5  }
0x9f: {  	[timem:s9], [sflag:s22] =	dma.local [hbm:s7], s20  }
0xa0: {  	_ =	swait.ge [sflag:s22], s20  }
0xa1: {  	s6 =	ssub.s32 $0x0, s20;
	[sflag:s22] =	ssyncset.done $0x0  }
0xa2: {  	[sflag:s22] =	ssyncadd.s32 s6;
	_ =	sdelay $0x1  }
0xa3: {  	s23 =	simm.s32 $0x1B8B  }
0xa4: {  	_ =	swait.ge [sflag:s23], $0x1  }
0xa5: {  	[sflag:s23] =	ssyncset.done $0x0  }
0xa6: {  	s25 =	simm.s32 $0x1B8E;
	s24 =	sld [smem:$0x3FFE];
	[sflag:s23] =	ssyncadd.s32 $0xFFFFFFFF  }
0xa7: {  	s26 =	simm.s32 $execute0_lowered;
	[smem:$0x3FD2] =	sst s25  }
0xa8: {  	s7 =	sshll.u32 s26, $0x1;
	_ =	strace $0x80000046;
	[dreg:$0x1] =	wrdreg $0xFFFFFFFF  }
0xa9: {  	s28 =	simm.s32 $_size_execute0_lowered;
	s5 =	sadd.s32 s5, s7;
	[dreg:$0x0] =	wrdreg $0x0  }
0xaa: {  	s7 =	sshll.u32 s28, $0x1;
	[dreg:$0x2] =	wrdreg s5  }
0xab: {  	[dreg:$0x3] =	wrdreg s7  }
0xac: {  	[dreg:$0x4] =	wrdreg $0xC0  }
0xad: {  	_ =	task [dreg:s9], $0x5FFFF  }
0xae: {  	[dreg:$0x1] =	wrdreg $0xFFFFFFFF  }
0xaf: {  	[dreg:$0x0] =	wrdreg $0x60  }
0xb0: {  	[dreg:$0x2] =	wrdreg s2  }
0xb1: {  	[dreg:$0x3] =	wrdreg s18  }
0xb2: {  	[dreg:$0x4] =	wrdreg s4  }
0xb3: {  	[dreg:$0x5] =	wrdreg s24  }
0xb4: {  	[dreg:$0x6] =	wrdreg $0x9  }
0xb5: {  	_ =	task.clear_ibuf [dreg:s9], $0x7FFFF;
	_ =	strace $0x90000046  }
0xb6: {  	s29 =	simm.s32 $0x9;
	_ =	strace $0x80000048  }
0xb7: {  	_ =	swait.ge [sflag:s29], $0x1  }
0xb8: {  	[sflag:s29] =	ssyncadd.s32 $0xFFFFFFFF  }
0xb9: {  	_ =	strace $0x90000048  }
0xba: {  	_ =	sfence  }
0xbb: {  	s30 =	sld [smem:$0x0];
	_ =	sdelay $0x2  }
0xbc: {  	s31 =	sshll.u32 s1, $0xD;
	s1 =	sshrl.u32 s1, $0x2  }
0xbd: {  	s3 =	sand.u32 $0x4000, s31;
	s1 =	sadd.s32 s1, s30  }
0xbe: {  	s0 =	sor.u32 s3, s0;
	s1 =	sshll.u32 s1, $0x11  }
0xbf: {  	s0 =	sor.u32 s1, s0  }
0xc0: {  	s0 =	sadd.s32 $0x8F2B, s0  }
0xc1: {  	[sflag:s0] =	ssyncadd.remote.s32 $0x1  }
0xc2: {  	_ =	sfence.sel $0xFFFF  }
0xc3: {  	[dreg:$0x0] =	wrdreg $0xFFFFFFFF;
	(pc) =	sbr.abs _section_cstart, $3  }
0xc4: {  	[dreg:$0x1] =	wrdreg $0xFFFFFFFF  }
0xc5: {  	_ =	task.clear_ibuf [dreg:s9], $0x2FFFF;
	_ =	strace $0x9FFFFFFF  }
0xc6: {  	(tm) =	ssettm $0x7FFFFFFF  }
0xc7: {  	_ =	shalt  }
tec
execute0_lowered:
.L_overlay_start_1:
0x0: {  	(tag) =	ssettag $0x1  }
0x1: {  	s0 =	rddreg [dreg:$0x0]  }
0x2: {  	s1 =	rddreg [dreg:$0x1]  }
0x3: {  	s2 =	rddreg [dreg:$0x2]  }
0x4: {  	s5 =	rddreg [dreg:$0x3];
	s4 =	srdreg.scid  }
0x5: {  	s6 =	stileid.u32;
	s3 =	simm.s32 $0x0;
	s18 =	simm.s32 $0x9  }
0x6: {  	s19 =	simm.s32 $0x40;
	s20 =	simm.s32 $0x200;
	s21 =	simm.s32 $0x2200  }
0x7: {  	s28 =	simm.s32 $0x6200;
	s29 =	simm.s32 $0xE200;
	s30 =	simm.s32 $0x2  }
0x8: {  	s31 =	simm.s32 $0x6;
	s22 =	simm.s32 $0x7;
	s15 =	simm.s32 $0xA  }
0x9: {  	s16 =	simm.s32 $0x0;
	s4 =	sand.u32 $0x1, s4;
	s6 =	sshll.u32 s6, $0x1  }
0xa: {  	[smem:$0x7FF] =	sst s3;
	s12 =	sor.u32 s4, s6;
	s23 =	ssub.s32 $0x2, s4  }
0xb: {  	_ =	strace $0x80000047;
	s24 =	sshll.u32 s12, $0xD;
	s7 =	sshrl.u32 s23, $0x1  }
0xc: {  	s8 =	sshll.u32 s12, $0x6;
	s26 =	sshll.u32 s12, $0x4;
	s4 =	sadd.s32 s0, s24  }
0xd: {  	s25 =	ssub.s32 s23, s7;
	s1 =	sadd.s32 s1, s8;
	s13 =	sadd.s32 s5, s26  }
0xe: {  	s23 =	simm.s32 $0x4200;
	s24 =	simm.s32 $0x1;
	s0 =	simm.s32 $0x4  }
0xf: {  	s26 =	simm.s32 $0x8;
	[dreg:$0x5] =	wrdreg s1;
	s6 =	sadd.s32 $0x400, s4  }
0x10: {  	s7 =	sadd.s32 $0x800, s4;
	s8 =	sadd.s32 $0xC00, s4;
	s9 =	sadd.s32 $0x1000, s4  }
0x11: {  	s10 =	sadd.s32 $0x1400, s4;
	s11 =	sadd.s32 $0x1800, s4;
	s12 =	sadd.s32 $0x1C00, s4  }
0x12: {  	s14 =	smax.u32 s25, $0x1;
	s25 =	simm.s32 $0x5;
	s1 =	simm.s32 $0x3  }
.LBB2_1:
0x13: {  	s5 =	rddreg [dreg:$0x5]  }
0x14: {  	[tilespmem:s3], [sflag:$0x9] =	stream.linear.gather [hbm4b:s5+s3], $0x200, $0x38;
	[tilespmem:$0x10280] =	vst v63  }
0x15: {  	s17 =	simm.s32 $0x8200  }
0x16: {  	[tilespmem:s17], [sflag:$0x5] =	stream.linear.gather [hbm4b:s4+s3], $0x2000, $0x38;
	[tilespmem:$0x10280] =	vst v63  }
0x17: {  	s17 =	simm.s32 $0xA200  }
0x18: {  	[tilespmem:s17], [sflag:$0x6] =	stream.linear.gather [hbm4b:s6+s3], $0x2000, $0x38;
	[tilespmem:$0x10280] =	vst v63  }
0x19: {  	s17 =	simm.s32 $0xC200  }
0x1a: {  	[tilespmem:s17], [sflag:$0x7] =	stream.linear.gather [hbm4b:s7+s3], $0x2000, $0x38;
	[tilespmem:$0x10280] =	vst v63  }
0x1b: {  	_ =	swait.ge [sflag:s18], $0x200  }
0x1c: {  	[sflag:s18] =	ssyncset.done $0x0  }
0x1d: {  	[sflag:s18] =	ssyncadd.s32 $0xFFFFFE00  }
0x1e: {  	[tilespmem:s20], [sflag:$0x1] =	stream.indirect.gather [hbm4b:s2+s19], $0x80, s3, s19, $0xb8;
	[tilespmem:$0x10280] =	vst v63  }
0x1f: {  	_ = 	snop  }
0x20: {  	[tilespmem:s21], [sflag:$0x2] =	stream.indirect.gather [hbm4b:s2+s19], $0x80, s19, s19, $0xb8;
	[tilespmem:$0x10280] =	vst v63  }
0x21: {  	s17 =	simm.s32 $0x80  }
0x22: {  	[tilespmem:s23], [sflag:$0x3] =	stream.indirect.gather [hbm4b:s2+s19], $0x80, s17, s19, $0xb8;
	[tilespmem:$0x10280] =	vst v63  }
0x23: {  	_ =	swait.ge [sflag:s24], $0x2000  }
0x24: {  	[sflag:s24] =	ssyncset.done $0x0  }
0x25: {  	[sflag:s24] =	ssyncadd.s32 $0xFFFFE000  }
0x26: {  	_ =	swait.ge [sflag:s25], $0x2000  }
0x27: {  	[sflag:s25] =	ssyncset.done $0x0  }
0x28: {  	s17 =	simm.s32 $0xC0;
	[sflag:s25] =	ssyncadd.s32 $0xFFFFE000  }
0x29: {  	[tilespmem:s28], [sflag:$0x4] =	stream.indirect.gather [hbm4b:s2+s19], $0x80, s17, s19, $0xb8;
	[tilespmem:$0x10280] =	vst v63  }
0x2a: {  	s17 =	simm.s32 $0x0  }
0x2b: {  	[tilespmem:s29], [sflag:$0x8] =	stream.linear.gather [hbm4b:s8+s3], $0x2000, $0x38;
	[tilespmem:$0x10280] =	vst v63  }
0x2c: {  	v0 =	vld [tilespmem:s17+$0x8240]  }
0x2d: {  	v8 =	vld [tilespmem:s17+$0x240]  }
0x2e: {  	v5 =	vld [tilespmem:s17+$0x8250]  }
0x2f: {  	v12 =	vld [tilespmem:s17+$0x250]  }
0x30: {  	v3 =	vld [tilespmem:s17+$0x8260]  }
0x31: {  	v4 =	vld [tilespmem:s17+$0x260]  }
0x32: {  	v13 =	vld [tilespmem:s17+$0x8200]  }
0x33: {  	v14 =	vld [tilespmem:s17+$0x200]  }
0x34: {  	v15 =	vld [tilespmem:s17+$0x8210]  }
0x35: {  	v17 =	vld [tilespmem:s17+$0x210]  }
0x36: {  	v16 =	vld [tilespmem:s17+$0x8220]  }
0x37: {  	v10 =	vimm.f32 $0.0e+00;
	v19 =	vld [tilespmem:s17+$0x220]  }
0x38: {  	v11 =	vimm.f32 $0.0e+00;
	v9 =	vimm.f32 $0.0e+00;
	v7 =	vimm.f32 $0.0e+00;
	s5 =	simm.s32 $0x200;
	v18 =	vld [tilespmem:s17+$0x8230]  }
.LBB2_2:
0x39: {  	p0 =	sne.s32 s5, $0x7E00;
	v1 =	vld [tilespmem:s17+$0x230]  }
0x3a: {  	v2 =	vld [tilespmem:s17+$0x8270]  }
0x3b: {  	v6 =	vsub.f32 v0, v8;
	v20 =	vld [tilespmem:s17+$0x270];
	s17 =	sshra.s32 s5, $0x2  }
0x3c: {  	v13 =	vsub.f32 v13, v14;
	v12 =	vsub.f32 v5, v12;
	v0 =	vld [tilespmem:s17+$0x8240]  }
0x3d: {  	v14 =	vsub.f32 v15, v17;
	v15 =	vsub.f32 v16, v19;
	v8 =	vld [tilespmem:s17+$0x240]  }
0x3e: {  	v6 =	vmul.f32 v6, v6;
	v16 =	vmul.f32 v12, v12;
	v5 =	vld [tilespmem:s17+$0x8250];
	v1 =	vsub.f32 v18, v1  }
0x3f: {  	v17 =	vsub.f32 v3, v4;
	v13 =	vmul.f32 v13, v13;
	v14 =	vmul.f32 v14, v14;
	v12 =	vld [tilespmem:s17+$0x250]  }
0x40: {  	v15 =	vmul.f32 v15, v15;
	v3 =	vld [tilespmem:s17+$0x8260];
	v1 =	vmul.f32 v1, v1;
	v2 =	vsub.f32 v2, v20  }
0x41: {  	v17 =	vmul.f32 v17, v17;
	v10 =	vadd.f32 v13, v10;
	v11 =	vadd.f32 v14, v11;
	v4 =	vld [tilespmem:s17+$0x260]  }
0x42: {  	v9 =	vadd.f32 v15, v9;
	v13 =	vld [tilespmem:s17+$0x8200];
	v1 =	vadd.f32 v1, v7;
	v2 =	vmul.f32 v2, v2  }
0x43: {  	v10 =	vadd.f32 v6, v10;
	v11 =	vadd.f32 v16, v11;
	v14 =	vld [tilespmem:s17+$0x200]  }
.Ltmp0:
0x44: {  	v9 =	vadd.f32 v17, v9;
	v15 =	vld [tilespmem:s17+$0x8210];
	v7 =	vadd.f32 v2, v1;
	(pc) =	sbr.rel @p0 .LBB2_2-.Ltmp0, $4  }
0x45: {  	v17 =	vld [tilespmem:s17+$0x210]  }
0x46: {  	v16 =	vld [tilespmem:s17+$0x8220]  }
0x47: {  	v19 =	vld [tilespmem:s17+$0x220]  }
0x48: {  	s5 =	sadd.s32 $0x200, s5;
	v18 =	vld [tilespmem:s17+$0x8230]  }
0x49: {  	v20 =	vld [tilespmem:s17+$0x230]  }
0x4a: {  	v21 =	vld [tilespmem:s17+$0x8270]  }
0x4b: {  	v22 =	vld [tilespmem:s17+$0x270];
	_ =	swait.ge [sflag:s30], $0x2000  }
0x4c: {  	[sflag:s30] =	ssyncset.done $0x0  }
0x4d: {  	[sflag:s30] =	ssyncadd.s32 $0xFFFFE000  }
0x4e: {  	_ =	swait.ge [sflag:s31], $0x2000  }
0x4f: {  	[sflag:s31] =	ssyncset.done $0x0  }
0x50: {  	s5 =	simm.s32 $0x100;
	[sflag:s31] =	ssyncadd.s32 $0xFFFFE000  }
0x51: {  	[tilespmem:s20], [sflag:$0x1] =	stream.indirect.gather [hbm4b:s2+s19], $0x80, s5, s19, $0xb8;
	[tilespmem:$0x10280] =	vst v63  }
0x52: {  	s17 =	simm.s32 $0x8200;
	s5 =	simm.s32 $0x0  }
0x53: {  	[tilespmem:s17], [sflag:$0x5] =	stream.linear.gather [hbm4b:s9+s5], $0x2000, $0x38;
	[tilespmem:$0x10280] =	vst v63  }
0x54: {  	s17 =	simm.s32 $0x0  }
0x55: {  	v1 =	vld [tilespmem:s17+$0xA240]  }
0x56: {  	v6 =	vld [tilespmem:s17+$0x2240]  }
0x57: {  	v2 =	vld [tilespmem:s17+$0xA250]  }
0x58: {  	v23 =	vsub.f32 v0, v8;
	v8 =	vld [tilespmem:s17+$0x2250]  }
0x59: {  	v13 =	vsub.f32 v13, v14;
	v14 =	vsub.f32 v15, v17;
	v0 =	vld [tilespmem:s17+$0xA260]  }
0x5a: {  	v12 =	vsub.f32 v5, v12;
	v15 =	vsub.f32 v16, v19;
	v5 =	vld [tilespmem:s17+$0x2260]  }
0x5b: {  	v13 =	vmul.f32 v13, v13;
	v17 =	vmul.f32 v14, v14;
	v16 =	vsub.f32 v18, v20;
	v14 =	vld [tilespmem:s17+$0xA200]  }
0x5c: {  	v3 =	vsub.f32 v3, v4;
	v12 =	vmul.f32 v12, v12;
	v4 =	vmul.f32 v15, v15;
	v15 =	vld [tilespmem:s17+$0x2200]  }
0x5d: {  	v10 =	vadd.f32 v13, v10;
	v18 =	vsub.f32 v21, v22;
	v13 =	vmul.f32 v16, v16;
	v16 =	vld [tilespmem:s17+$0xA210]  }
0x5e: {  	v3 =	vmul.f32 v3, v3;
	v19 =	vmul.f32 v23, v23;
	v11 =	vadd.f32 v17, v11;
	v17 =	vld [tilespmem:s17+$0x2210]  }
0x5f: {  	v4 =	vadd.f32 v4, v9;
	v9 =	vmul.f32 v18, v18;
	v7 =	vadd.f32 v13, v7;
	v18 =	vld [tilespmem:s17+$0xA220]  }
0x60: {  	v12 =	vadd.f32 v12, v11;
	v13 =	vadd.f32 v19, v10;
	v19 =	vld [tilespmem:s17+$0x2220]  }
0x61: {  	s5 =	simm.s32 $0x200;
	v11 =	vadd.f32 v3, v4;
	v20 =	vld [tilespmem:s17+$0xA230];
	v10 =	vadd.f32 v9, v7  }
.LBB2_4:
0x62: {  	p0 =	sne.s32 s5, $0x7E00;
	v3 =	vld [tilespmem:s17+$0x2230]  }
0x63: {  	v4 =	vld [tilespmem:s17+$0xA270]  }
0x64: {  	v7 =	vsub.f32 v1, v6;
	v9 =	vld [tilespmem:s17+$0x2270];
	s17 =	sshra.s32 s5, $0x2  }
0x65: {  	v14 =	vsub.f32 v14, v15;
	v8 =	vsub.f32 v2, v8;
	v1 =	vld [tilespmem:s17+$0xA240]  }
0x66: {  	v15 =	vsub.f32 v16, v17;
	v16 =	vsub.f32 v18, v19;
	v6 =	vld [tilespmem:s17+$0x2240]  }
0x67: {  	v7 =	vmul.f32 v7, v7;
	v17 =	vmul.f32 v8, v8;
	v2 =	vld [tilespmem:s17+$0xA250];
	v3 =	vsub.f32 v20, v3  }
0x68: {  	v14 =	vmul.f32 v14, v14;
	v15 =	vmul.f32 v15, v15;
	v18 =	vsub.f32 v0, v5;
	v8 =	vld [tilespmem:s17+$0x2250]  }
0x69: {  	v16 =	vmul.f32 v16, v16;
	v0 =	vld [tilespmem:s17+$0xA260];
	v3 =	vmul.f32 v3, v3;
	v4 =	vsub.f32 v4, v9  }
0x6a: {  	v12 =	vadd.f32 v15, v12;
	v18 =	vmul.f32 v18, v18;
	v9 =	vadd.f32 v14, v13;
	v5 =	vld [tilespmem:s17+$0x2260]  }
0x6b: {  	v11 =	vadd.f32 v16, v11;
	v14 =	vld [tilespmem:s17+$0xA200];
	v3 =	vadd.f32 v3, v10;
	v4 =	vmul.f32 v4, v4  }
0x6c: {  	v12 =	vadd.f32 v17, v12;
	v13 =	vadd.f32 v7, v9;
	v15 =	vld [tilespmem:s17+$0x2200]  }
.Ltmp1:
0x6d: {  	v11 =	vadd.f32 v18, v11;
	v16 =	vld [tilespmem:s17+$0xA210];
	v10 =	vadd.f32 v4, v3;
	(pc) =	sbr.rel @p0 .LBB2_4-.Ltmp1, $4  }
0x6e: {  	v17 =	vld [tilespmem:s17+$0x2210]  }
0x6f: {  	v18 =	vld [tilespmem:s17+$0xA220]  }
0x70: {  	v19 =	vld [tilespmem:s17+$0x2220]  }
0x71: {  	s5 =	sadd.s32 $0x200, s5;
	v20 =	vld [tilespmem:s17+$0xA230]  }
0x72: {  	v21 =	vld [tilespmem:s17+$0x2230]  }
0x73: {  	v22 =	vld [tilespmem:s17+$0xA270]  }
0x74: {  	v23 =	vld [tilespmem:s17+$0x2270];
	_ =	swait.ge [sflag:s1], $0x2000  }
0x75: {  	[sflag:s1] =	ssyncset.done $0x0  }
0x76: {  	[sflag:s1] =	ssyncadd.s32 $0xFFFFE000  }
0x77: {  	_ =	swait.ge [sflag:s22], $0x2000  }
0x78: {  	[sflag:s22] =	ssyncset.done $0x0  }
0x79: {  	s5 =	simm.s32 $0x140;
	[sflag:s22] =	ssyncadd.s32 $0xFFFFE000  }
0x7a: {  	[tilespmem:s21], [sflag:$0x2] =	stream.indirect.gather [hbm4b:s2+s19], $0x80, s5, s19, $0xb8;
	[tilespmem:$0x10280] =	vst v63  }
0x7b: {  	s17 =	simm.s32 $0xA200;
	s5 =	simm.s32 $0x0  }
0x7c: {  	[tilespmem:s17], [sflag:$0x6] =	stream.linear.gather [hbm4b:s10+s5], $0x2000, $0x38;
	[tilespmem:$0x10280] =	vst v63  }
0x7d: {  	s17 =	simm.s32 $0x0  }
0x7e: {  	v4 =	vld [tilespmem:s17+$0xC240]  }
0x7f: {  	v7 =	vld [tilespmem:s17+$0x4240]  }
0x80: {  	v3 =	vld [tilespmem:s17+$0xC250]  }
0x81: {  	v14 =	vsub.f32 v14, v15;
	v9 =	vld [tilespmem:s17+$0x4250]  }
0x82: {  	v24 =	vsub.f32 v1, v6;
	v15 =	vsub.f32 v16, v17;
	v1 =	vld [tilespmem:s17+$0xC260]  }
0x83: {  	v2 =	vsub.f32 v2, v8;
	v17 =	vmul.f32 v14, v14;
	v8 =	vsub.f32 v18, v19;
	v6 =	vld [tilespmem:s17+$0x4260]  }
0x84: {  	v5 =	vsub.f32 v0, v5;
	v15 =	vmul.f32 v15, v15;
	v16 =	vsub.f32 v20, v21;
	v14 =	vld [tilespmem:s17+$0xC200]  }
0x85: {  	v2 =	vmul.f32 v2, v2;
	v13 =	vadd.f32 v17, v13;
	v8 =	vmul.f32 v8, v8;
	v0 =	vld [tilespmem:s17+$0x4200]  }
0x86: {  	v18 =	vsub.f32 v22, v23;
	v12 =	vadd.f32 v15, v12;
	v17 =	vmul.f32 v16, v16;
	v15 =	vld [tilespmem:s17+$0xC210]  }
0x87: {  	v5 =	vmul.f32 v5, v5;
	v19 =	vmul.f32 v24, v24;
	v16 =	vld [tilespmem:s17+$0x4210]  }
0x88: {  	v8 =	vadd.f32 v8, v11;
	v20 =	vmul.f32 v18, v18;
	v10 =	vadd.f32 v17, v10;
	v17 =	vld [tilespmem:s17+$0xC220]  }
0x89: {  	v13 =	vadd.f32 v19, v13;
	v12 =	vadd.f32 v2, v12;
	v18 =	vld [tilespmem:s17+$0x4220]  }
0x8a: {  	s5 =	simm.s32 $0x200;
	v11 =	vadd.f32 v5, v8;
	v19 =	vld [tilespmem:s17+$0xC230];
	v10 =	vadd.f32 v20, v10  }
.LBB2_6:
0x8b: {  	p0 =	sne.s32 s5, $0x7E00;
	v2 =	vld [tilespmem:s17+$0x4230]  }
0x8c: {  	v5 =	vld [tilespmem:s17+$0xC270]  }
0x8d: {  	v8 =	vsub.f32 v4, v7;
	v20 =	vld [tilespmem:s17+$0x4270];
	s17 =	sshra.s32 s5, $0x2  }
0x8e: {  	v0 =	vsub.f32 v14, v0;
	v9 =	vsub.f32 v3, v9;
	v4 =	vld [tilespmem:s17+$0xC240]  }
0x8f: {  	v14 =	vsub.f32 v15, v16;
	v15 =	vsub.f32 v17, v18;
	v7 =	vld [tilespmem:s17+$0x4240]  }
0x90: {  	v8 =	vmul.f32 v8, v8;
	v16 =	vmul.f32 v9, v9;
	v3 =	vld [tilespmem:s17+$0xC250];
	v2 =	vsub.f32 v19, v2  }
0x91: {  	v0 =	vmul.f32 v0, v0;
	v14 =	vmul.f32 v14, v14;
	v17 =	vsub.f32 v1, v6;
	v9 =	vld [tilespmem:s17+$0x4250]  }
0x92: {  	v15 =	vmul.f32 v15, v15;
	v1 =	vld [tilespmem:s17+$0xC260];
	v2 =	vmul.f32 v2, v2;
	v5 =	vsub.f32 v5, v20  }
0x93: {  	v13 =	vadd.f32 v0, v13;
	v12 =	vadd.f32 v14, v12;
	v17 =	vmul.f32 v17, v17;
	v6 =	vld [tilespmem:s17+$0x4260]  }
0x94: {  	v11 =	vadd.f32 v15, v11;
	v14 =	vld [tilespmem:s17+$0xC200];
	v2 =	vadd.f32 v2, v10;
	v5 =	vmul.f32 v5, v5  }
0x95: {  	v13 =	vadd.f32 v8, v13;
	v12 =	vadd.f32 v16, v12;
	v0 =	vld [tilespmem:s17+$0x4200]  }
.Ltmp2:
0x96: {  	v11 =	vadd.f32 v17, v11;
	v15 =	vld [tilespmem:s17+$0xC210];
	v10 =	vadd.f32 v5, v2;
	(pc) =	sbr.rel @p0 .LBB2_6-.Ltmp2, $4  }
0x97: {  	v16 =	vld [tilespmem:s17+$0x4210]  }
0x98: {  	v17 =	vld [tilespmem:s17+$0xC220]  }
0x99: {  	v18 =	vld [tilespmem:s17+$0x4220]  }
0x9a: {  	s5 =	sadd.s32 $0x200, s5;
	v19 =	vld [tilespmem:s17+$0xC230]  }
0x9b: {  	v20 =	vld [tilespmem:s17+$0x4230]  }
0x9c: {  	v21 =	vld [tilespmem:s17+$0xC270]  }
0x9d: {  	v22 =	vld [tilespmem:s17+$0x4270];
	_ =	swait.ge [sflag:s0], $0x2000  }
0x9e: {  	[sflag:s0] =	ssyncset.done $0x0  }
0x9f: {  	[sflag:s0] =	ssyncadd.s32 $0xFFFFE000  }
0xa0: {  	_ =	swait.ge [sflag:s26], $0x2000  }
0xa1: {  	[sflag:s26] =	ssyncset.done $0x0  }
0xa2: {  	s5 =	simm.s32 $0x180;
	[sflag:s26] =	ssyncadd.s32 $0xFFFFE000  }
0xa3: {  	[tilespmem:s23], [sflag:$0x3] =	stream.indirect.gather [hbm4b:s2+s19], $0x80, s5, s19, $0xb8;
	[tilespmem:$0x10280] =	vst v63  }
0xa4: {  	s17 =	simm.s32 $0xC200;
	s5 =	simm.s32 $0x0  }
0xa5: {  	[tilespmem:s17], [sflag:$0x7] =	stream.linear.gather [hbm4b:s11+s5], $0x2000, $0x38;
	[tilespmem:$0x10280] =	vst v63  }
0xa6: {  	s17 =	simm.s32 $0x0  }
0xa7: {  	v5 =	vld [tilespmem:s17+$0xE240]  }
0xa8: {  	v8 =	vld [tilespmem:s17+$0x6240]  }
0xa9: {  	v2 =	vld [tilespmem:s17+$0xE250]  }
0xaa: {  	v4 =	vsub.f32 v4, v7;
	v14 =	vsub.f32 v14, v0;
	v7 =	vld [tilespmem:s17+$0x6250]  }
0xab: {  	v15 =	vsub.f32 v15, v16;
	v0 =	vld [tilespmem:s17+$0xE260]  }
0xac: {  	v9 =	vsub.f32 v3, v9;
	v14 =	vmul.f32 v14, v14;
	v3 =	vld [tilespmem:s17+$0x6260]  }
0xad: {  	v16 =	vsub.f32 v17, v18;
	v18 =	vmul.f32 v15, v15;
	v17 =	vsub.f32 v19, v20;
	v15 =	vld [tilespmem:s17+$0xE200]  }
0xae: {  	v6 =	vsub.f32 v1, v6;
	v4 =	vmul.f32 v4, v4;
	v13 =	vadd.f32 v14, v13;
	v1 =	vld [tilespmem:s17+$0x6200]  }
0xaf: {  	v19 =	vmul.f32 v16, v16;
	v20 =	vsub.f32 v21, v22;
	v14 =	vmul.f32 v17, v17;
	v16 =	vld [tilespmem:s17+$0xE210]  }
0xb0: {  	v9 =	vmul.f32 v9, v9;
	v6 =	vmul.f32 v6, v6;
	v12 =	vadd.f32 v18, v12;
	v17 =	vld [tilespmem:s17+$0x6210]  }
0xb1: {  	v11 =	vadd.f32 v19, v11;
	v20 =	vmul.f32 v20, v20;
	v10 =	vadd.f32 v14, v10;
	v18 =	vld [tilespmem:s17+$0xE220]  }
0xb2: {  	v14 =	vadd.f32 v4, v13;
	v13 =	vadd.f32 v9, v12;
	v19 =	vld [tilespmem:s17+$0x6220]  }
0xb3: {  	s5 =	simm.s32 $0x200;
	v12 =	vadd.f32 v6, v11;
	v11 =	vadd.f32 v20, v10;
	v20 =	vld [tilespmem:s17+$0xE230]  }
.LBB2_8:
0xb4: {  	p0 =	sne.s32 s5, $0x7E00;
	v4 =	vld [tilespmem:s17+$0x6230]  }
0xb5: {  	v6 =	vld [tilespmem:s17+$0xE270]  }
0xb6: {  	v9 =	vsub.f32 v5, v8;
	v10 =	vld [tilespmem:s17+$0x6270];
	s17 =	sshra.s32 s5, $0x2  }
0xb7: {  	v1 =	vsub.f32 v15, v1;
	v7 =	vsub.f32 v2, v7;
	v5 =	vld [tilespmem:s17+$0xE240]  }
0xb8: {  	v15 =	vsub.f32 v16, v17;
	v16 =	vsub.f32 v18, v19;
	v8 =	vld [tilespmem:s17+$0x6240]  }
0xb9: {  	v9 =	vmul.f32 v9, v9;
	v17 =	vmul.f32 v7, v7;
	v2 =	vld [tilespmem:s17+$0xE250];
	v4 =	vsub.f32 v20, v4  }
0xba: {  	v1 =	vmul.f32 v1, v1;
	v15 =	vmul.f32 v15, v15;
	v18 =	vsub.f32 v0, v3;
	v7 =	vld [tilespmem:s17+$0x6250]  }
0xbb: {  	v16 =	vmul.f32 v16, v16;
	v0 =	vld [tilespmem:s17+$0xE260];
	v4 =	vmul.f32 v4, v4;
	v6 =	vsub.f32 v6, v10  }
0xbc: {  	v13 =	vadd.f32 v15, v13;
	v18 =	vmul.f32 v18, v18;
	v10 =	vadd.f32 v1, v14;
	v3 =	vld [tilespmem:s17+$0x6260]  }
0xbd: {  	v12 =	vadd.f32 v16, v12;
	v15 =	vld [tilespmem:s17+$0xE200];
	v4 =	vadd.f32 v4, v11;
	v6 =	vmul.f32 v6, v6  }
0xbe: {  	v13 =	vadd.f32 v17, v13;
	v14 =	vadd.f32 v9, v10;
	v1 =	vld [tilespmem:s17+$0x6200]  }
.Ltmp3:
0xbf: {  	v12 =	vadd.f32 v18, v12;
	v16 =	vld [tilespmem:s17+$0xE210];
	v11 =	vadd.f32 v6, v4;
	(pc) =	sbr.rel @p0 .LBB2_8-.Ltmp3, $4  }
0xc0: {  	v17 =	vld [tilespmem:s17+$0x6210]  }
0xc1: {  	v18 =	vld [tilespmem:s17+$0xE220]  }
0xc2: {  	v19 =	vld [tilespmem:s17+$0x6220]  }
0xc3: {  	s5 =	sadd.s32 $0x200, s5;
	v20 =	vld [tilespmem:s17+$0xE230]  }
0xc4: {  	v21 =	vld [tilespmem:s17+$0x6230]  }
0xc5: {  	v22 =	vld [tilespmem:s17+$0xE270]  }
0xc6: {  	v23 =	vld [tilespmem:s17+$0x6270];
	_ =	swait.ge [sflag:s24], $0x2000  }
0xc7: {  	[sflag:s24] =	ssyncset.done $0x0  }
0xc8: {  	[sflag:s24] =	ssyncadd.s32 $0xFFFFE000  }
0xc9: {  	_ =	swait.ge [sflag:s25], $0x2000  }
0xca: {  	[sflag:s25] =	ssyncset.done $0x0  }
0xcb: {  	s5 =	simm.s32 $0x1C0;
	[sflag:s25] =	ssyncadd.s32 $0xFFFFE000  }
0xcc: {  	[tilespmem:s28], [sflag:$0x4] =	stream.indirect.gather [hbm4b:s2+s19], $0x80, s5, s19, $0xb8;
	[tilespmem:$0x10280] =	vst v63  }
0xcd: {  	s17 =	simm.s32 $0x0  }
0xce: {  	[tilespmem:s29], [sflag:$0x8] =	stream.linear.gather [hbm4b:s12+s17], $0x2000, $0x38;
	[tilespmem:$0x10280] =	vst v63  }
0xcf: {  	s17 =	simm.s32 $0x0  }
0xd0: {  	v6 =	vld [tilespmem:s17+$0x8240]  }
0xd1: {  	v9 =	vld [tilespmem:s17+$0x240]  }
0xd2: {  	v4 =	vld [tilespmem:s17+$0x8250]  }
0xd3: {  	v5 =	vsub.f32 v5, v8;
	v10 =	vld [tilespmem:s17+$0x250]  }
0xd4: {  	v8 =	vsub.f32 v15, v1;
	v15 =	vsub.f32 v16, v17;
	v1 =	vld [tilespmem:s17+$0x8260]  }
0xd5: {  	v2 =	vsub.f32 v2, v7;
	v16 =	vsub.f32 v18, v19;
	v7 =	vld [tilespmem:s17+$0x260]  }
0xd6: {  	v8 =	vmul.f32 v8, v8;
	v18 =	vmul.f32 v15, v15;
	v17 =	vsub.f32 v20, v21;
	v15 =	vld [tilespmem:s17+$0x8200]  }
0xd7: {  	v3 =	vsub.f32 v0, v3;
	v5 =	vmul.f32 v5, v5;
	v16 =	vmul.f32 v16, v16;
	v0 =	vld [tilespmem:s17+$0x200]  }
0xd8: {  	v8 =	vadd.f32 v8, v14;
	v19 =	vsub.f32 v22, v23;
	v17 =	vmul.f32 v17, v17;
	v14 =	vld [tilespmem:s17+$0x8210]  }
0xd9: {  	v2 =	vmul.f32 v2, v2;
	v18 =	vadd.f32 v18, v13;
	v20 =	vadd.f32 v16, v12;
	v16 =	vld [tilespmem:s17+$0x210]  }
0xda: {  	v3 =	vmul.f32 v3, v3;
	v19 =	vmul.f32 v19, v19;
	v63 =	vadd.f32 v17, v11;
	v17 =	vld [tilespmem:s17+$0x8220]  }
0xdb: {  	v13 =	vadd.f32 v5, v8;
	v12 =	vadd.f32 v2, v18;
	v18 =	vld [tilespmem:s17+$0x220]  }
0xdc: {  	s5 =	simm.s32 $0x200;
	v11 =	vadd.f32 v3, v20;
	v3 =	vadd.f32 v19, v63;
	v19 =	vld [tilespmem:s17+$0x8230]  }
.LBB2_10:
0xdd: {  	p0 =	sne.s32 s5, $0x7E00;
	v2 =	vld [tilespmem:s17+$0x230]  }
0xde: {  	v5 =	vld [tilespmem:s17+$0x8270]  }
0xdf: {  	v8 =	vsub.f32 v6, v9;
	v20 =	vld [tilespmem:s17+$0x270];
	s17 =	sshra.s32 s5, $0x2  }
0xe0: {  	v0 =	vsub.f32 v15, v0;
	v10 =	vsub.f32 v4, v10;
	v6 =	vld [tilespmem:s17+$0x8240]  }
0xe1: {  	v14 =	vsub.f32 v14, v16;
	v15 =	vsub.f32 v17, v18;
	v9 =	vld [tilespmem:s17+$0x240]  }
0xe2: {  	v8 =	vmul.f32 v8, v8;
	v16 =	vmul.f32 v10, v10;
	v4 =	vld [tilespmem:s17+$0x8250];
	v2 =	vsub.f32 v19, v2  }
0xe3: {  	v0 =	vmul.f32 v0, v0;
	v14 =	vmul.f32 v14, v14;
	v17 =	vsub.f32 v1, v7;
	v10 =	vld [tilespmem:s17+$0x250]  }
0xe4: {  	v18 =	vmul.f32 v15, v15;
	v1 =	vld [tilespmem:s17+$0x8260];
	v2 =	vmul.f32 v2, v2;
	v5 =	vsub.f32 v5, v20  }
0xe5: {  	v13 =	vadd.f32 v0, v13;
	v12 =	vadd.f32 v14, v12;
	v17 =	vmul.f32 v17, v17;
	v7 =	vld [tilespmem:s17+$0x260]  }
0xe6: {  	v11 =	vadd.f32 v18, v11;
	v15 =	vld [tilespmem:s17+$0x8200];
	v2 =	vadd.f32 v2, v3;
	v3 =	vmul.f32 v5, v5  }
0xe7: {  	v13 =	vadd.f32 v8, v13;
	v12 =	vadd.f32 v16, v12;
	v0 =	vld [tilespmem:s17+$0x200]  }
.Ltmp4:
0xe8: {  	v11 =	vadd.f32 v17, v11;
	v14 =	vld [tilespmem:s17+$0x8210];
	v3 =	vadd.f32 v3, v2;
	(pc) =	sbr.rel @p0 .LBB2_10-.Ltmp4, $4  }
0xe9: {  	v16 =	vld [tilespmem:s17+$0x210]  }
0xea: {  	v17 =	vld [tilespmem:s17+$0x8220]  }
0xeb: {  	v18 =	vld [tilespmem:s17+$0x220]  }
0xec: {  	s5 =	sadd.s32 $0x200, s5;
	v19 =	vld [tilespmem:s17+$0x8230]  }
0xed: {  	v20 =	vld [tilespmem:s17+$0x230]  }
0xee: {  	v21 =	vld [tilespmem:s17+$0x8270]  }
0xef: {  	v22 =	vld [tilespmem:s17+$0x270];
	_ =	swait.ge [sflag:s30], $0x2000  }
0xf0: {  	[sflag:s30] =	ssyncset.done $0x0  }
0xf1: {  	[sflag:s30] =	ssyncadd.s32 $0xFFFFE000  }
0xf2: {  	_ =	swait.ge [sflag:s31], $0x2000  }
0xf3: {  	[sflag:s31] =	ssyncset.done $0x0  }
0xf4: {  	s17 =	simm.s32 $0x0;
	[sflag:s31] =	ssyncadd.s32 $0xFFFFE000  }
0xf5: {  	v5 =	vld [tilespmem:s17+$0xA240]  }
0xf6: {  	v8 =	vld [tilespmem:s17+$0x2240]  }
0xf7: {  	v2 =	vld [tilespmem:s17+$0xA250]  }
0xf8: {  	v23 =	vsub.f32 v6, v9;
	v15 =	vsub.f32 v15, v0;
	v9 =	vld [tilespmem:s17+$0x2250]  }
0xf9: {  	v14 =	vsub.f32 v14, v16;
	v0 =	vld [tilespmem:s17+$0xA260]  }
0xfa: {  	v4 =	vsub.f32 v4, v10;
	v15 =	vmul.f32 v15, v15;
	v6 =	vld [tilespmem:s17+$0x2260]  }
0xfb: {  	v10 =	vsub.f32 v17, v18;
	v17 =	vmul.f32 v14, v14;
	v16 =	vsub.f32 v19, v20;
	v14 =	vld [tilespmem:s17+$0xA200]  }
0xfc: {  	v7 =	vsub.f32 v1, v7;
	v4 =	vmul.f32 v4, v4;
	v13 =	vadd.f32 v15, v13;
	v1 =	vld [tilespmem:s17+$0x2200]  }
0xfd: {  	v10 =	vmul.f32 v10, v10;
	v18 =	vsub.f32 v21, v22;
	v15 =	vld [tilespmem:s17+$0xA210];
	v19 =	vmul.f32 v16, v16  }
0xfe: {  	v7 =	vmul.f32 v7, v7;
	v12 =	vadd.f32 v17, v12;
	v20 =	vmul.f32 v23, v23;
	v17 =	vld [tilespmem:s17+$0xA220]  }
0xff: {  	v10 =	vadd.f32 v10, v11;
	v16 =	vld [tilespmem:s17+$0x2210];
	v3 =	vadd.f32 v19, v3;
	v19 =	vmul.f32 v18, v18  }
0x100: {  	v13 =	vadd.f32 v20, v13;
	v12 =	vadd.f32 v4, v12;
	v18 =	vld [tilespmem:s17+$0x2220]  }
0x101: {  	s5 =	simm.s32 $0x200;
	v11 =	vadd.f32 v7, v10;
	v10 =	vadd.f32 v19, v3;
	v19 =	vld [tilespmem:s17+$0xA230]  }
.LBB2_12:
0x102: {  	p0 =	sne.s32 s5, $0x7E00;
	v3 =	vld [tilespmem:s17+$0x2230]  }
0x103: {  	v4 =	vld [tilespmem:s17+$0xA270]  }
0x104: {  	v7 =	vsub.f32 v5, v8;
	v20 =	vld [tilespmem:s17+$0x2270];
	s17 =	sshra.s32 s5, $0x2  }
0x105: {  	v1 =	vsub.f32 v14, v1;
	v9 =	vsub.f32 v2, v9;
	v5 =	vld [tilespmem:s17+$0xA240]  }
0x106: {  	v14 =	vsub.f32 v15, v16;
	v15 =	vsub.f32 v17, v18;
	v8 =	vld [tilespmem:s17+$0x2240]  }
0x107: {  	v7 =	vmul.f32 v7, v7;
	v16 =	vmul.f32 v9, v9;
	v2 =	vld [tilespmem:s17+$0xA250];
	v3 =	vsub.f32 v19, v3  }
0x108: {  	v1 =	vmul.f32 v1, v1;
	v14 =	vmul.f32 v14, v14;
	v17 =	vsub.f32 v0, v6;
	v9 =	vld [tilespmem:s17+$0x2250]  }
0x109: {  	v15 =	vmul.f32 v15, v15;
	v0 =	vld [tilespmem:s17+$0xA260];
	v3 =	vmul.f32 v3, v3;
	v4 =	vsub.f32 v4, v20  }
0x10a: {  	v13 =	vadd.f32 v1, v13;
	v12 =	vadd.f32 v14, v12;
	v17 =	vmul.f32 v17, v17;
	v6 =	vld [tilespmem:s17+$0x2260]  }
0x10b: {  	v11 =	vadd.f32 v15, v11;
	v14 =	vld [tilespmem:s17+$0xA200];
	v3 =	vadd.f32 v3, v10;
	v4 =	vmul.f32 v4, v4  }
0x10c: {  	v13 =	vadd.f32 v7, v13;
	v12 =	vadd.f32 v16, v12;
	v1 =	vld [tilespmem:s17+$0x2200]  }
.Ltmp5:
0x10d: {  	v11 =	vadd.f32 v17, v11;
	v15 =	vld [tilespmem:s17+$0xA210];
	v10 =	vadd.f32 v4, v3;
	(pc) =	sbr.rel @p0 .LBB2_12-.Ltmp5, $4  }
0x10e: {  	v16 =	vld [tilespmem:s17+$0x2210]  }
0x10f: {  	v17 =	vld [tilespmem:s17+$0xA220]  }
0x110: {  	v18 =	vld [tilespmem:s17+$0x2220]  }
0x111: {  	s5 =	sadd.s32 $0x200, s5;
	v19 =	vld [tilespmem:s17+$0xA230]  }
0x112: {  	v20 =	vld [tilespmem:s17+$0x2230]  }
0x113: {  	v21 =	vld [tilespmem:s17+$0xA270]  }
0x114: {  	v22 =	vld [tilespmem:s17+$0x2270];
	_ =	swait.ge [sflag:s1], $0x2000  }
0x115: {  	[sflag:s1] =	ssyncset.done $0x0  }
0x116: {  	[sflag:s1] =	ssyncadd.s32 $0xFFFFE000  }
0x117: {  	_ =	swait.ge [sflag:s22], $0x2000  }
0x118: {  	[sflag:s22] =	ssyncset.done $0x0  }
0x119: {  	s17 =	simm.s32 $0x0;
	[sflag:s22] =	ssyncadd.s32 $0xFFFFE000  }
0x11a: {  	v4 =	vld [tilespmem:s17+$0xC240]  }
0x11b: {  	v7 =	vld [tilespmem:s17+$0x4240]  }
0x11c: {  	v3 =	vld [tilespmem:s17+$0xC250]  }
0x11d: {  	v8 =	vsub.f32 v5, v8;
	v5 =	vld [tilespmem:s17+$0x4250]  }
0x11e: {  	v14 =	vsub.f32 v14, v1;
	v15 =	vsub.f32 v15, v16;
	v1 =	vld [tilespmem:s17+$0xC260]  }
0x11f: {  	v9 =	vsub.f32 v2, v9;
	v16 =	vsub.f32 v17, v18;
	v2 =	vld [tilespmem:s17+$0x4260]  }
0x120: {  	v18 =	vmul.f32 v14, v14;
	v15 =	vmul.f32 v15, v15;
	v17 =	vsub.f32 v19, v20;
	v14 =	vld [tilespmem:s17+$0xC200]  }
0x121: {  	v6 =	vsub.f32 v0, v6;
	v8 =	vmul.f32 v8, v8;
	v16 =	vmul.f32 v16, v16;
	v0 =	vld [tilespmem:s17+$0x4200]  }
0x122: {  	v19 =	vsub.f32 v21, v22;
	v12 =	vadd.f32 v15, v12;
	v15 =	vld [tilespmem:s17+$0xC210];
	v17 =	vmul.f32 v17, v17  }
0x123: {  	v9 =	vmul.f32 v9, v9;
	v6 =	vmul.f32 v6, v6;
	v13 =	vadd.f32 v18, v13;
	v18 =	vld [tilespmem:s17+$0x4220]  }
0x124: {  	v11 =	vadd.f32 v16, v11;
	v16 =	vld [tilespmem:s17+$0x4210];
	v19 =	vmul.f32 v19, v19;
	v10 =	vadd.f32 v17, v10  }
0x125: {  	v13 =	vadd.f32 v8, v13;
	v12 =	vadd.f32 v9, v12;
	v17 =	vld [tilespmem:s17+$0xC220]  }
0x126: {  	s5 =	simm.s32 $0x200;
	v11 =	vadd.f32 v6, v11;
	v9 =	vadd.f32 v19, v10;
	v19 =	vld [tilespmem:s17+$0xC230]  }
.LBB2_14:
0x127: {  	p0 =	sne.s32 s5, $0x7E00;
	v6 =	vld [tilespmem:s17+$0x4230]  }
0x128: {  	v8 =	vld [tilespmem:s17+$0xC270]  }
0x129: {  	v10 =	vsub.f32 v4, v7;
	v20 =	vld [tilespmem:s17+$0x4270];
	s17 =	sshra.s32 s5, $0x2  }
0x12a: {  	v0 =	vsub.f32 v14, v0;
	v5 =	vsub.f32 v3, v5;
	v4 =	vld [tilespmem:s17+$0xC240]  }
0x12b: {  	v14 =	vsub.f32 v15, v16;
	v15 =	vsub.f32 v17, v18;
	v7 =	vld [tilespmem:s17+$0x4240]  }
0x12c: {  	v10 =	vmul.f32 v10, v10;
	v16 =	vmul.f32 v5, v5;
	v3 =	vld [tilespmem:s17+$0xC250];
	v6 =	vsub.f32 v19, v6  }
0x12d: {  	v0 =	vmul.f32 v0, v0;
	v14 =	vmul.f32 v14, v14;
	v17 =	vsub.f32 v1, v2;
	v5 =	vld [tilespmem:s17+$0x4250]  }
0x12e: {  	v15 =	vmul.f32 v15, v15;
	v1 =	vld [tilespmem:s17+$0xC260];
	v6 =	vmul.f32 v6, v6;
	v8 =	vsub.f32 v8, v20  }
0x12f: {  	v13 =	vadd.f32 v0, v13;
	v12 =	vadd.f32 v14, v12;
	v17 =	vmul.f32 v17, v17;
	v2 =	vld [tilespmem:s17+$0x4260]  }
0x130: {  	v11 =	vadd.f32 v15, v11;
	v14 =	vld [tilespmem:s17+$0xC200];
	v6 =	vadd.f32 v6, v9;
	v8 =	vmul.f32 v8, v8  }
0x131: {  	v13 =	vadd.f32 v10, v13;
	v12 =	vadd.f32 v16, v12;
	v0 =	vld [tilespmem:s17+$0x4200]  }
.Ltmp6:
0x132: {  	v11 =	vadd.f32 v17, v11;
	v15 =	vld [tilespmem:s17+$0xC210];
	v9 =	vadd.f32 v8, v6;
	(pc) =	sbr.rel @p0 .LBB2_14-.Ltmp6, $4  }
0x133: {  	v16 =	vld [tilespmem:s17+$0x4210]  }
0x134: {  	v17 =	vld [tilespmem:s17+$0xC220]  }
0x135: {  	v18 =	vld [tilespmem:s17+$0x4220]  }
0x136: {  	s5 =	sadd.s32 $0x200, s5;
	v19 =	vld [tilespmem:s17+$0xC230]  }
0x137: {  	v20 =	vld [tilespmem:s17+$0x4230]  }
0x138: {  	v21 =	vld [tilespmem:s17+$0xC270]  }
0x139: {  	v22 =	vld [tilespmem:s17+$0x4270];
	_ =	swait.ge [sflag:s0], $0x2000  }
0x13a: {  	[sflag:s0] =	ssyncset.done $0x0  }
0x13b: {  	[sflag:s0] =	ssyncadd.s32 $0xFFFFE000  }
0x13c: {  	_ =	swait.ge [sflag:s26], $0x2000  }
0x13d: {  	[sflag:s26] =	ssyncset.done $0x0  }
0x13e: {  	s17 =	simm.s32 $0x0;
	[sflag:s26] =	ssyncadd.s32 $0xFFFFE000  }
0x13f: {  	v6 =	vld [tilespmem:s17+$0xE240]  }
0x140: {  	v10 =	vld [tilespmem:s17+$0x6240]  }
0x141: {  	v8 =	vld [tilespmem:s17+$0xE250]  }
0x142: {  	v7 =	vsub.f32 v4, v7;
	v14 =	vsub.f32 v14, v0;
	v4 =	vld [tilespmem:s17+$0x6250]  }
0x143: {  	v5 =	vsub.f32 v3, v5;
	v15 =	vsub.f32 v15, v16;
	v0 =	vld [tilespmem:s17+$0xE260]  }
0x144: {  	v1 =	vsub.f32 v1, v2;
	v16 =	vsub.f32 v17, v18;
	v3 =	vld [tilespmem:s17+$0x6260]  }
0x145: {  	v18 =	vmul.f32 v14, v14;
	v17 =	vsub.f32 v19, v20;
	v19 =	vmul.f32 v15, v15;
	v14 =	vld [tilespmem:s17+$0xE200]  }
0x146: {  	v7 =	vmul.f32 v7, v7;
	v2 =	vmul.f32 v16, v16;
	v16 =	vsub.f32 v21, v22;
	v15 =	vld [tilespmem:s17+$0x6200]  }
0x147: {  	v13 =	vadd.f32 v18, v13;
	v17 =	vmul.f32 v17, v17;
	v18 =	vadd.f32 v19, v12;
	v12 =	vld [tilespmem:s17+$0xE210]  }
0x148: {  	v1 =	vmul.f32 v1, v1;
	v19 =	vmul.f32 v5, v5;
	v2 =	vadd.f32 v2, v11;
	v11 =	vld [tilespmem:s17+$0x6210]  }
0x149: {  	v16 =	vmul.f32 v16, v16;
	v5 =	vadd.f32 v7, v13;
	v13 =	vld [tilespmem:s17+$0x6220];
	v17 =	vadd.f32 v17, v9  }
0x14a: {  	v9 =	vld [tilespmem:s17+$0xE220];
	v7 =	vadd.f32 v19, v18  }
0x14b: {  	s5 =	simm.s32 $0x200;
	v2 =	vadd.f32 v1, v2;
	v1 =	vadd.f32 v16, v17;
	v16 =	vld [tilespmem:s17+$0xE230]  }
.LBB2_16:
0x14c: {  	p0 =	sne.s32 s5, $0x7E00;
	v17 =	vld [tilespmem:s17+$0x6230]  }
0x14d: {  	v18 =	vld [tilespmem:s17+$0xE270]  }
0x14e: {  	v19 =	vsub.f32 v6, v10;
	v20 =	vld [tilespmem:s17+$0x6270];
	s17 =	sshra.s32 s5, $0x2  }
0x14f: {  	v14 =	vsub.f32 v14, v15;
	v4 =	vsub.f32 v8, v4;
	v6 =	vld [tilespmem:s17+$0xE240]  }
0x150: {  	v11 =	vsub.f32 v12, v11;
	v9 =	vsub.f32 v9, v13;
	v10 =	vld [tilespmem:s17+$0x6240]  }
0x151: {  	v13 =	vmul.f32 v19, v19;
	v8 =	vld [tilespmem:s17+$0xE250];
	v12 =	vsub.f32 v16, v17;
	v16 =	vmul.f32 v4, v4  }
0x152: {  	v15 =	vsub.f32 v0, v3;
	v14 =	vmul.f32 v14, v14;
	v11 =	vmul.f32 v11, v11;
	v4 =	vld [tilespmem:s17+$0x6250]  }
0x153: {  	v9 =	vmul.f32 v9, v9;
	v0 =	vld [tilespmem:s17+$0xE260];
	v12 =	vmul.f32 v12, v12;
	v17 =	vsub.f32 v18, v20  }
0x154: {  	v5 =	vadd.f32 v14, v5;
	v7 =	vadd.f32 v11, v7;
	v11 =	vmul.f32 v15, v15;
	v3 =	vld [tilespmem:s17+$0x6260]  }
0x155: {  	v2 =	vadd.f32 v9, v2;
	v14 =	vld [tilespmem:s17+$0xE200];
	v1 =	vadd.f32 v12, v1;
	v9 =	vmul.f32 v17, v17  }
0x156: {  	v5 =	vadd.f32 v13, v5;
	v7 =	vadd.f32 v16, v7;
	v15 =	vld [tilespmem:s17+$0x6200]  }
.Ltmp7:
0x157: {  	v2 =	vadd.f32 v11, v2;
	v12 =	vld [tilespmem:s17+$0xE210];
	v1 =	vadd.f32 v9, v1;
	(pc) =	sbr.rel @p0 .LBB2_16-.Ltmp7, $4  }
0x158: {  	v11 =	vld [tilespmem:s17+$0x6210]  }
0x159: {  	v9 =	vld [tilespmem:s17+$0xE220]  }
0x15a: {  	v13 =	vld [tilespmem:s17+$0x6220]  }
0x15b: {  	s5 =	sadd.s32 $0x200, s5;
	v16 =	vld [tilespmem:s17+$0xE230]  }
0x15c: {  	v17 =	vld [tilespmem:s17+$0x6230]  }
0x15d: {  	v18 =	vld [tilespmem:s17+$0xE270];
	v14 =	vsub.f32 v14, v15  }
0x15e: {  	v54 =	vld [tilespmem:s17+$0x6270];
	v11 =	vsub.f32 v12, v11  }
0x15f: {  	v6 =	vsub.f32 v6, v10;
	v4 =	vsub.f32 v8, v4;
	v57 =	vmul.f32 v14, v14  }
0x160: {  	v0 =	vsub.f32 v0, v3;
	v55 =	vsub.f32 v9, v13;
	v11 =	vmul.f32 v11, v11  }
0x161: {  	v6 =	vmul.f32 v6, v6;
	v5 =	vadd.f32 v57, v5;
	v56 =	vsub.f32 v16, v17  }
0x162: {  	v4 =	vmul.f32 v4, v4;
	v58 =	vmul.f32 v55, v55;
	v7 =	vadd.f32 v11, v7  }
0x163: {  	v60 =	vsub.f32 v18, v54;
	v61 =	vadd.f32 v6, v5;
	v59 =	vmul.f32 v56, v56  }
0x164: {  	v0 =	vmul.f32 v0, v0;
	v2 =	vadd.f32 v58, v2;
	v4 =	vadd.f32 v4, v7  }
0x165: {  	v1 =	vadd.f32 v59, v1  }
0x166: {  	v62 =	vmul.f32 v60, v60;
	v0 =	vadd.f32 v0, v2;
	v63 =	vadd.f32 v4, v61;
	_ =	sdelay $0x1  }
0x167: {  	v1 =	vadd.f32 v62, v1;
	v0 =	vadd.f32 v0, v63;
	_ =	sdelay $0x1  }
0x168: {  	s16 =	sadd.s32 $0x1, s16;
	v0 =	vadd.f32 v1, v0  }
0x169: {  	p0 =	sne.s32 s16, s14  }
.Ltmp8:
0x16a: {  	s5 =	simm.s32 $0x10200;
	[tilespmem:$0x10200] =	vst v0;
	(pc) =	sbr.rel @p0 .LBB2_1-.Ltmp8, $4  }
0x16b: {  	[hbm4b:s13+s3] =	stream.linear.scatter [tilespmem:s5], [sflag:$0xA], $0x80, $0x38;
	[tilespmem:$0x10280] =	vst v63  }
0x16c: {  	_ =	swait.ge [sflag:s15], $0x80  }
0x16d: {  	[sflag:s15] =	ssyncset.done $0x0  }
0x16e: {  	[sflag:s15] =	ssyncadd.s32 $0xFFFFFF80  }
0x16f: {  	_ =	sfence.sel $0x180000  }
0x170: {  	[bflag:$0x0] =	sbarrier.arrive $0xFFFF  }
0x171: {  	_ =	strace $0x90000047  }
0x172: {  	s0 =	stileid.u32;
	[bflag:$0x2] =	sbarrier.arrive $0xFFFF  }
0x173: {  	p0 =	sne.s32 s0, $0x0;
	s0 =	rddreg [dreg:$0x4]  }
0x174: {  	s0 =	sadd.s32 @!p0 $0x100000, s0  }
0x175: {  	[sflag:s0] =	ssyncadd.tile.s32 @!p0 $0x1;
	_ =	shalt  }
.Lfunc_end2:
_tile_overlayer_lowered:
.L_overlay_start_2:
0x176: {  	(tag) =	ssettag $0x2  }
0x177: {  	s0 =	rddreg [dreg:$0x0];
	s2 =	stileid.u32  }
0x178: {  	s1 =	rddreg [dreg:$0x1];
	p0 =	sne.s32 s2, $0x0  }
0x179: {  	s3 =	rddreg [dreg:$0x2];
	[bflag:$0x3] =	sbarrier.arrive $0xFFFF;
	s2 =	simm.s32 @!p0 $0x1C0A  }
0x17a: {  	[timem:s3], [sflag:s2] =	dma.local @!p0 [hbm:s0], s1  }
0x17b: {  	s0 =	simm.s32 @!p0 $0xA  }
0x17c: {  	_ =	swait.ge @!p0 [sflag:s0], s1  }
0x17d: {  	s1 =	ssub.s32 @!p0 $0x0, s1;
	[sflag:s0] =	ssyncset.done @!p0 $0x0  }
0x17e: {  	[sflag:s0] =	ssyncadd.s32 @!p0 s1  }
0x17f: {  	[bflag:$0x3] =	sbarrier.arrive $0xFFFF  }
0x180: {  	_ =	shalt  }

</sc_bundles>
